<compile_context>
chip_gen: v7x
topology: tpu7x:2x2x1
jax: 0.10.2.dev20260603
libtpu: 0.0.44.dev20260713+nightly
codegen_flags: <defaults>
</compile_context>

<pallas_src>
import functools

import jax
import jax.numpy as jnp
from jax import lax
from jax.experimental import pallas as pl
from jax.experimental.pallas import tpu as pltpu
from jax.experimental.pallas import tpu_sc as plsc

N = 10000
E = 320000
D = 128
H = 128
INJ = 2
NUM_MASK = 1500

NC = 2
NS = 16
NW = NC * NS
EPT = E // NW
K = 80
KV = K // 16
MPAD = 1504
MG = 1520
NGCH = MG // K
FLAGN = N + 16
ACC_R = 2048
DUMP = 1536
PEND = EPT + K + 16
SPT = ACC_R // NS


def _sc_kernel_body(x_hbm, edge_hbm, mi_hbm, mig_hbm, tok_hbm,
                    acc_out, deg_out, w_out, xrows_out,
                    src_v, dst_v, psrc_v, pslot_v, slot_v, rows_b, mi_v,
                    tok_v, srcw_v, slotw_v, migw_v, ones_v, z128_v, w_v,
                    acc_sh, deg_sh, sem0):
    c = lax.axis_index("c")
    s = lax.axis_index("s")
    wid = c * NS + s

    pltpu.sync_copy(edge_hbm.at[0, wid], src_v)
    pltpu.sync_copy(edge_hbm.at[1, wid], dst_v)
    pltpu.sync_copy(mi_hbm, mi_v)
    pltpu.sync_copy(tok_hbm, tok_v)

    zero16f = jnp.zeros((16,), jnp.float32)
    ones16f = jnp.ones((16,), jnp.float32)
    zeros16i = jnp.zeros((16,), jnp.int32)
    ones16i = jnp.ones((16,), jnp.int32)
    neg16i = jnp.full((16,), -1, jnp.int32)
    dump16i = jnp.full((16,), DUMP, jnp.int32)
    iota16 = lax.iota(jnp.int32, 16)

    def _zf(i, _):
        slot_v[pl.ds(i * 16, 16)] = neg16i
        return 0
    lax.fori_loop(0, FLAGN // 16, _zf, 0)

    def _zr(i, _):
        rows_b[0, i // (D // 16), pl.ds((i % (D // 16)) * 16, 16)] = zero16f
        return 0
    lax.fori_loop(0, K * (D // 16), _zr, 0)

    def _zz(i, _):
        z128_v[pl.ds(i * 16, 16)] = zero16f
        return 0
    lax.fori_loop(0, SPT // 16, _zz, 0)
    for jj in range(KV):
        ones_v[pl.ds(jj * 16, 16)] = ones16f

    def _bf(i, _):
        mv = mi_v[pl.ds(i * 16, 16)]
        valid = (iota16 + i * 16) < NUM_MASK
        plsc.store_scatter(slot_v, [mv], iota16 + i * 16, mask=valid)
        return 0
    lax.fori_loop(0, MPAD // 16, _bf, 0)

    pltpu.sync_copy(rows_b.at[0], acc_sh.at[pl.ds(s * SPT, K)])
    pltpu.sync_copy(rows_b.at[0, pl.ds(0, SPT - K)],
                    acc_sh.at[pl.ds(s * SPT + K, SPT - K)])
    pltpu.sync_copy(z128_v, deg_sh.at[pl.ds(s * SPT, SPT)])
    plsc.subcore_barrier()

    t0 = tok_v[0, pl.ds(0, 16)]
    t1 = tok_v[1, pl.ds(0, 16)]

    @pl.when(wid < NGCH)
    def _():
        pltpu.sync_copy(mig_hbm.at[wid], migw_v)
        pltpu.async_copy(x_hbm.at[migw_v.at[0]], rows_b.at[0], sem0).wait()
        pltpu.sync_copy(rows_b.at[0], xrows_out.at[pl.ds(wid * K, K)])

    @pl.when(jnp.logical_and(c == 0, s == 0))
    def _():
        def _zw(i, _):
            w_v[pl.ds(i * 16, 16)] = zero16f
            return 0
        lax.fori_loop(0, ACC_R // 16, _zw, 0)

        def _bw(i, _):
            mv = mi_v[pl.ds(i * 16, 16)]
            rep = plsc.load_gather(slot_v, [mv])
            rep = jnp.where(rep < 0, dump16i, rep)
            valid = (iota16 + i * 16) < NUM_MASK
            plsc.addupdate_scatter(w_v, [rep], ones16f, mask=valid)
            return 0
        lax.fori_loop(0, MPAD // 16, _bw, 0)
        pltpu.sync_copy(w_v, w_out)

    def _scan(i, cntv):
        dv = dst_v[pl.ds(i * 16, 16)]
        sl = plsc.load_gather(slot_v, [dv])
        m = sl >= 0
        cum = lax.cumsum(jnp.where(m, 1, 0), axis=0)
        pos = cntv + cum - 1
        sv = src_v[pl.ds(i * 16, 16)]
        plsc.store_scatter(psrc_v, [pos], sv, mask=m)
        plsc.store_scatter(pslot_v, [pos], sl, mask=m)
        return cntv + plsc.all_reduce_population_count(m)

    cntv = lax.fori_loop(0, EPT // 16, _scan, jnp.zeros((16,), jnp.int32))
    cnt = jnp.max(cntv)

    for jj in range(KV):
        p = cnt + iota16 + jj * 16
        plsc.store_scatter(psrc_v, [p], zeros16i)
        plsc.store_scatter(pslot_v, [p], dump16i)

    ngrp = (cnt + K - 1) // K

    def _chunk(g, _):
        base = g * K
        svs = []
        for jj in range(KV):
            sv = psrc_v[pl.ds(base + jj * 16, 16)]
            slv = pslot_v[pl.ds(base + jj * 16, 16)]
            srcw_v[0, pl.ds(jj * 16, 16)] = sv
            slotw_v[0, pl.ds(jj * 16, 16)] = slv
            svs.append(sv)
        pltpu.async_copy(x_hbm.at[srcw_v.at[0]], rows_b.at[0], sem0).wait()
        rows = rows_b.at[0]
        for jj in range(KV):
            fl = plsc.load_gather(slot_v, [svs[jj]])
            m = fl >= 0
            rowpos = iota16 + jj * 16
            plsc.store_scatter(rows, [rowpos, zeros16i], t0, mask=m)
            plsc.store_scatter(rows, [rowpos, ones16i], t1, mask=m)
        pltpu.sync_copy(rows, acc_sh.at[slotw_v.at[0]], add=True)
        pltpu.sync_copy(ones_v, deg_sh.at[slotw_v.at[0]], add=True)
        return 0

    lax.fori_loop(0, ngrp, _chunk, 0)

    plsc.subcore_barrier()
    pltpu.sync_copy(acc_sh.at[pl.ds(s * SPT, SPT)],
                    acc_out.at[c, pl.ds(s * SPT, SPT)])
    pltpu.sync_copy(deg_sh.at[pl.ds(s * SPT, SPT)], deg_out.at[c, s])


_sc_kernel = functools.partial(
    pl.kernel,
    out_type=[
        jax.ShapeDtypeStruct((NC, ACC_R, D), jnp.float32),
        jax.ShapeDtypeStruct((NC, NS, SPT), jnp.float32),
        jax.ShapeDtypeStruct((ACC_R,), jnp.float32),
        jax.ShapeDtypeStruct((MG, D), jnp.float32),
    ],
    mesh=plsc.VectorSubcoreMesh(core_axis_name="c", subcore_axis_name="s"),
    scratch_types=[
        pltpu.VMEM((EPT,), jnp.int32),
        pltpu.VMEM((EPT,), jnp.int32),
        pltpu.VMEM((PEND,), jnp.int32),
        pltpu.VMEM((PEND,), jnp.int32),
        pltpu.VMEM((FLAGN,), jnp.int32),
        pltpu.VMEM((1, K, D), jnp.float32),
        pltpu.VMEM((MPAD,), jnp.int32),
        pltpu.VMEM((2, 16), jnp.float32),
        pltpu.VMEM((1, K), jnp.int32),
        pltpu.VMEM((1, K), jnp.int32),
        pltpu.VMEM((1, K), jnp.int32),
        pltpu.VMEM((K,), jnp.float32),
        pltpu.VMEM((SPT,), jnp.float32),
        pltpu.VMEM((ACC_R,), jnp.float32),
        pltpu.VMEM_SHARED((ACC_R, D), jnp.float32),
        pltpu.VMEM_SHARED((ACC_R,), jnp.float32),
        pltpu.SemaphoreType.DMA,
    ],
    compiler_params=pltpu.CompilerParams(needs_layout_passes=False),
)(_sc_kernel_body)


def _tc_kernel_body(acc_ref, degt_ref, w_ref, xr_ref, tok_ref,
                    wenc_ref, benc_ref, w1_ref, b1_ref, w2_ref, b2_ref,
                    o_ref):
    acc = acc_ref[0, :MPAD] + acc_ref[1, :MPAD]
    degt = degt_ref[...]
    deg = degt[:MPAD, 0:1] + degt[:MPAD, 1:2]
    agg = acc / jnp.maximum(deg, 1.0)
    xr = xr_ref[...][:MPAD]
    tok = tok_ref[...]
    xm01 = jnp.broadcast_to(tok, (MPAD, INJ))
    h = agg + jnp.concatenate([xm01, xr[:, INJ:]], axis=1)
    emb = jnp.maximum(
        jnp.dot(h, wenc_ref[...], preferred_element_type=jnp.float32,
                precision=lax.Precision.HIGHEST)
        + benc_ref[...], 0.0)
    hid = jnp.maximum(
        jnp.dot(emb, w1_ref[...], preferred_element_type=jnp.float32,
                precision=lax.Precision.HIGHEST)
        + b1_ref[...], 0.0)
    pred = jnp.dot(hid, w2_ref[...], preferred_element_type=jnp.float32,
                   precision=lax.Precision.HIGHEST) \
        + b2_ref[...]
    wv = w_ref[...][:MPAD]
    loss = jnp.sum(jnp.abs(pred - xr[:, :INJ]) * wv) / (NUM_MASK * INJ)
    o_ref[...] = jnp.reshape(loss, (1, 1))


def kernel(x, edge_index, mask_indices, W_enc, b_enc, W1, b1, W2, b2,
           mask_token):
    edge3 = edge_index.reshape(2, NW, EPT)
    mi_pad = jnp.concatenate(
        [mask_indices, jnp.full((MPAD - NUM_MASK,), N, jnp.int32)])
    mi_g = jnp.concatenate(
        [mask_indices, jnp.zeros((MG - NUM_MASK,), jnp.int32)])
    mi_g3 = mi_g.reshape(NGCH, 1, K)
    tokb = jnp.broadcast_to(mask_token[:, None], (INJ, 16))

    acc_p, deg_p, w, xrows = _sc_kernel(x, edge3, mi_pad, mi_g3, tokb)

    loss2 = pl.pallas_call(
        _tc_kernel_body,
        out_shape=jax.ShapeDtypeStruct((1, 1), jnp.float32),
    )(acc_p, deg_p.reshape(NC, ACC_R).T, w[:, None], xrows,
      mask_token[None, :], W_enc, b_enc[None, :], W1, b1[None, :],
      W2, b2[None, :])
    return loss2[0, 0]

# --- scband reference (transcript-rebuilt; emitter-appended) ---
"""Pipeline reference for scband-masked-injection-ssl-25967372272020 (READ-ONLY COPY).

The authoritative reference and input builder live on the scoring server;
editing this copy changes nothing except your own understanding.
"""

import jax, jax.numpy as jnp
import numpy as np

N = 10000
E = 320000
D = 128
H = 128
INJ = 2
NUM_MASK = 1500


def setup_inputs(seed: int = 0) -> dict:
    key = jax.random.key(seed)
    ks = jax.random.split(key, 8)
    x = jax.random.normal(ks[0], (N, D), dtype=jnp.float32)
    edge_index = jax.random.randint(ks[1], (2, E), 0, N, dtype=jnp.int64 if jax.config.jax_enable_x64 else jnp.int32).astype(jnp.int32)
    mask_indices = jax.random.randint(ks[2], (NUM_MASK,), 0, N).astype(jnp.int32)
    W_enc = jax.random.normal(ks[3], (D, H), dtype=jnp.float32) * 0.02
    b_enc = jnp.zeros((H,), dtype=jnp.float32)
    W1 = jax.random.normal(ks[4], (H, H), dtype=jnp.float32) * 0.02
    b1 = jnp.zeros((H,), dtype=jnp.float32)
    W2 = jax.random.normal(ks[5], (H, INJ), dtype=jnp.float32) * 0.02
    b2 = jnp.zeros((INJ,), dtype=jnp.float32)
    mask_token = jax.random.normal(ks[6], (INJ,), dtype=jnp.float32) * 0.02
    return {"x": x, "edge_index": edge_index, "mask_indices": mask_indices,
            "W_enc": W_enc, "b_enc": b_enc, "W1": W1, "b1": b1,
            "W2": W2, "b2": b2, "mask_token": mask_token}


def reference(x, edge_index, mask_indices, W_enc, b_enc, W1, b1, W2, b2, mask_token):
    # original injections (Pd, Qd) at masked buses
    original_injections = x[mask_indices, :INJ]
    # scatter-overwrite: replace injection features at masked buses with mask token
    x_masked = x.at[mask_indices, :INJ].set(mask_token)
    # --- encoder: 1-layer mean-aggregation GCN with self loop ---
    src = edge_index[0]
    dst = edge_index[1]
    msgs = x_masked[src]  # gather
    agg = jax.ops.segment_sum(msgs, dst, num_segments=N)  # scatter-add
    deg = jax.ops.segment_sum(jnp.ones((E,), dtype=jnp.float32), dst, num_segments=N)
    agg = agg / jnp.clip(deg, 1.0, None)[:, None]
    h = agg + x_masked
    embeddings = jax.nn.relu(h @ W_enc + b_enc)
    # --- reconstructor on masked buses ---
    emb_masked = embeddings[mask_indices]  # gather
    hidden = jax.nn.relu(emb_masked @ W1 + b1)
    pred_injections = hidden @ W2 + b2
    loss = jnp.mean(jnp.abs(pred_injections - original_injections))
    return loss

if __name__ == "__main__":
    import jax
    _d = setup_inputs()
    print(jax.jit(kernel)(*tuple(_d.values())))

</pallas_src>

<mosaic_0001>
#map = affine_map<(d0, d1) -> (0, 0)>
#map1 = affine_map<(d0, d1) -> (0, 0, 0)>
#map2 = affine_map<(d0, d1) -> (0)>
module attributes {stable_mosaic.version = 14 : i64} {
  func.func @_sc_kernel_body(%arg0: i32, %arg1: i32, %arg2: memref<10000x128xf32, #tpu.memory_space<hbm>>, %arg3: memref<2x32x10000xi32, #tpu.memory_space<hbm>>, %arg4: memref<1504xi32, #tpu.memory_space<hbm>>, %arg5: memref<19x1x80xi32, #tpu.memory_space<hbm>>, %arg6: memref<2x16xf32, #tpu.memory_space<hbm>>, %arg7: memref<2x2048x128xf32, #tpu.memory_space<hbm>>, %arg8: memref<2x16x128xf32, #tpu.memory_space<hbm>>, %arg9: memref<2048xf32, #tpu.memory_space<hbm>>, %arg10: memref<1520x128xf32, #tpu.memory_space<hbm>>, %arg11: memref<10000xi32, #tpu.memory_space<vmem>>, %arg12: memref<10000xi32, #tpu.memory_space<vmem>>, %arg13: memref<10096xi32, #tpu.memory_space<vmem>>, %arg14: memref<10096xi32, #tpu.memory_space<vmem>>, %arg15: memref<10016xi32, #tpu.memory_space<vmem>>, %arg16: memref<1x80x128xf32, #tpu.memory_space<vmem>>, %arg17: memref<1504xi32, #tpu.memory_space<vmem>>, %arg18: memref<2x16xf32, #tpu.memory_space<vmem>>, %arg19: memref<1x80xi32, #tpu.memory_space<vmem>>, %arg20: memref<1x80xi32, #tpu.memory_space<vmem>>, %arg21: memref<1x80xi32, #tpu.memory_space<vmem>>, %arg22: memref<80xf32, #tpu.memory_space<vmem>>, %arg23: memref<128xf32, #tpu.memory_space<vmem>>, %arg24: memref<2048xf32, #tpu.memory_space<vmem>>, %arg25: memref<2048x128xf32, #tpu.memory_space<vmem_shared>>, %arg26: memref<2048xf32, #tpu.memory_space<vmem_shared>>, %arg27: memref<!tpu.dma_semaphore, #tpu.memory_space<semaphore_mem>>) attributes {dimension_semantics = [#tpu.dimension_semantics<core_parallel>, #tpu.dimension_semantics<subcore_parallel>], iteration_bounds = array<i64: 2, 16>, scalar_prefetch = 0 : i64, scratch_operands = 17 : i64, tpu.core_type = #tpu.core_type<sc_vector_subcore>, window_params = [{transform_indices = #map}, {transform_indices = #map1}, {transform_indices = #map2}, {transform_indices = #map1}, {transform_indices = #map}, {transform_indices = #map1}, {transform_indices = #map1}, {transform_indices = #map2}, {transform_indices = #map}]} {
    %mul3A = arith.constant 16 : i32
    %mul3A_0 = arith.muli %arg0, %mul3A : i32
    %add3A = arith.addi %mul3A_0, %arg1 : i32
    %run_scoped3A = arith.constant 0 : i32
    "tpu.region"() ({
      %run_scoped3A_153 = tpu.sem_alloc : memref<!tpu.dma_semaphore, #tpu.memory_space<semaphore_mem>>
      %dma_start3A = arith.constant 0 : i32
      %dma_start3A_154 = tpu.memref_slice %arg3[%run_scoped3A, %add3A, %dma_start3A] : memref<2x32x10000xi32, #tpu.memory_space<hbm>> -> memref<1x1x10000xi32, #tpu.memory_space<hbm>>
      %dma_start3A_155 = tpu.memref_squeeze %dma_start3A_154 : memref<1x1x10000xi32, #tpu.memory_space<hbm>> -> memref<10000xi32, #tpu.memory_space<hbm>>
      %dma_start3A_156 = arith.constant 0 : i32
      %dma_start3A_157 = tpu.memref_slice %arg3[%run_scoped3A, %add3A, %dma_start3A_156] : memref<2x32x10000xi32, #tpu.memory_space<hbm>> -> memref<1x1x10000xi32, #tpu.memory_space<hbm>>
      %dma_start3A_158 = tpu.memref_squeeze %dma_start3A_157 : memref<1x1x10000xi32, #tpu.memory_space<hbm>> -> memref<10000xi32, #tpu.memory_space<hbm>>
      tpu.enqueue_dma source(%dma_start3A_158 : memref<10000xi32, #tpu.memory_space<hbm>>) target(%arg11 : memref<10000xi32, #tpu.memory_space<vmem>>) target_semaphore(%run_scoped3A_153 : memref<!tpu.dma_semaphore, #tpu.memory_space<semaphore_mem>>)
      %dma_wait3A = arith.constant 0 : i32
      %dma_wait3A_159 = tpu.memref_slice %arg3[%run_scoped3A, %add3A, %dma_wait3A] : memref<2x32x10000xi32, #tpu.memory_space<hbm>> -> memref<1x1x10000xi32, #tpu.memory_space<hbm>>
      %dma_wait3A_160 = tpu.memref_squeeze %dma_wait3A_159 : memref<1x1x10000xi32, #tpu.memory_space<hbm>> -> memref<10000xi32, #tpu.memory_space<hbm>>
      %dma_wait3A_161 = arith.constant 0 : i32
      %dma_wait3A_162 = tpu.memref_slice %arg3[%run_scoped3A, %add3A, %dma_wait3A_161] : memref<2x32x10000xi32, #tpu.memory_space<hbm>> -> memref<1x1x10000xi32, #tpu.memory_space<hbm>>
      %dma_wait3A_163 = tpu.memref_squeeze %dma_wait3A_162 : memref<1x1x10000xi32, #tpu.memory_space<hbm>> -> memref<10000xi32, #tpu.memory_space<hbm>>
      tpu.wait_dma2 semaphore(%run_scoped3A_153 : memref<!tpu.dma_semaphore, #tpu.memory_space<semaphore_mem>>) src(%dma_wait3A_163 : memref<10000xi32, #tpu.memory_space<hbm>>) dst(%arg11 : memref<10000xi32, #tpu.memory_space<vmem>>)
      tpu.yield
    }) : () -> ()
    %run_scoped3A_1 = arith.constant 1 : i32
    "tpu.region"() ({
      %run_scoped3A_153 = tpu.sem_alloc : memref<!tpu.dma_semaphore, #tpu.memory_space<semaphore_mem>>
      %dma_start3A = arith.constant 0 : i32
      %dma_start3A_154 = tpu.memref_slice %arg3[%run_scoped3A_1, %add3A, %dma_start3A] : memref<2x32x10000xi32, #tpu.memory_space<hbm>> -> memref<1x1x10000xi32, #tpu.memory_space<hbm>>
      %dma_start3A_155 = tpu.memref_squeeze %dma_start3A_154 : memref<1x1x10000xi32, #tpu.memory_space<hbm>> -> memref<10000xi32, #tpu.memory_space<hbm>>
      %dma_start3A_156 = arith.constant 0 : i32
      %dma_start3A_157 = tpu.memref_slice %arg3[%run_scoped3A_1, %add3A, %dma_start3A_156] : memref<2x32x10000xi32, #tpu.memory_space<hbm>> -> memref<1x1x10000xi32, #tpu.memory_space<hbm>>
      %dma_start3A_158 = tpu.memref_squeeze %dma_start3A_157 : memref<1x1x10000xi32, #tpu.memory_space<hbm>> -> memref<10000xi32, #tpu.memory_space<hbm>>
      tpu.enqueue_dma source(%dma_start3A_158 : memref<10000xi32, #tpu.memory_space<hbm>>) target(%arg12 : memref<10000xi32, #tpu.memory_space<vmem>>) target_semaphore(%run_scoped3A_153 : memref<!tpu.dma_semaphore, #tpu.memory_space<semaphore_mem>>)
      %dma_wait3A = arith.constant 0 : i32
      %dma_wait3A_159 = tpu.memref_slice %arg3[%run_scoped3A_1, %add3A, %dma_wait3A] : memref<2x32x10000xi32, #tpu.memory_space<hbm>> -> memref<1x1x10000xi32, #tpu.memory_space<hbm>>
      %dma_wait3A_160 = tpu.memref_squeeze %dma_wait3A_159 : memref<1x1x10000xi32, #tpu.memory_space<hbm>> -> memref<10000xi32, #tpu.memory_space<hbm>>
      %dma_wait3A_161 = arith.constant 0 : i32
      %dma_wait3A_162 = tpu.memref_slice %arg3[%run_scoped3A_1, %add3A, %dma_wait3A_161] : memref<2x32x10000xi32, #tpu.memory_space<hbm>> -> memref<1x1x10000xi32, #tpu.memory_space<hbm>>
      %dma_wait3A_163 = tpu.memref_squeeze %dma_wait3A_162 : memref<1x1x10000xi32, #tpu.memory_space<hbm>> -> memref<10000xi32, #tpu.memory_space<hbm>>
      tpu.wait_dma2 semaphore(%run_scoped3A_153 : memref<!tpu.dma_semaphore, #tpu.memory_space<semaphore_mem>>) src(%dma_wait3A_163 : memref<10000xi32, #tpu.memory_space<hbm>>) dst(%arg12 : memref<10000xi32, #tpu.memory_space<vmem>>)
      tpu.yield
    }) : () -> ()
    "tpu.region"() ({
      %run_scoped3A_153 = tpu.sem_alloc : memref<!tpu.dma_semaphore, #tpu.memory_space<semaphore_mem>>
      tpu.enqueue_dma source(%arg4 : memref<1504xi32, #tpu.memory_space<hbm>>) target(%arg17 : memref<1504xi32, #tpu.memory_space<vmem>>) target_semaphore(%run_scoped3A_153 : memref<!tpu.dma_semaphore, #tpu.memory_space<semaphore_mem>>)
      tpu.wait_dma2 semaphore(%run_scoped3A_153 : memref<!tpu.dma_semaphore, #tpu.memory_space<semaphore_mem>>) src(%arg4 : memref<1504xi32, #tpu.memory_space<hbm>>) dst(%arg17 : memref<1504xi32, #tpu.memory_space<vmem>>)
      tpu.yield
    }) : () -> ()
    "tpu.region"() ({
      %run_scoped3A_153 = tpu.sem_alloc : memref<!tpu.dma_semaphore, #tpu.memory_space<semaphore_mem>>
      tpu.enqueue_dma source(%arg6 : memref<2x16xf32, #tpu.memory_space<hbm>>) target(%arg18 : memref<2x16xf32, #tpu.memory_space<vmem>>) target_semaphore(%run_scoped3A_153 : memref<!tpu.dma_semaphore, #tpu.memory_space<semaphore_mem>>)
      tpu.wait_dma2 semaphore(%run_scoped3A_153 : memref<!tpu.dma_semaphore, #tpu.memory_space<semaphore_mem>>) src(%arg6 : memref<2x16xf32, #tpu.memory_space<hbm>>) dst(%arg18 : memref<2x16xf32, #tpu.memory_space<vmem>>)
      tpu.yield
    }) : () -> ()
    %broadcast_in_dim3A = arith.constant 0.000000e+00 : f32
    %broadcast_in_dim3A_2 = vector.broadcast %broadcast_in_dim3A : f32 to vector<16xf32>
    %broadcast_in_dim3A_3 = arith.constant 1.000000e+00 : f32
    %broadcast_in_dim3A_4 = vector.broadcast %broadcast_in_dim3A_3 : f32 to vector<16xf32>
    %broadcast_in_dim3A_5 = arith.constant 0 : i32
    %broadcast_in_dim3A_6 = vector.broadcast %broadcast_in_dim3A_5 : i32 to vector<16xi32>
    %broadcast_in_dim3A_7 = arith.constant 1 : i32
    %broadcast_in_dim3A_8 = vector.broadcast %broadcast_in_dim3A_7 : i32 to vector<16xi32>
    %broadcast_in_dim3A_9 = arith.constant -1 : i32
    %broadcast_in_dim3A_10 = vector.broadcast %broadcast_in_dim3A_9 : i32 to vector<16xi32>
    %broadcast_in_dim3A_11 = arith.constant 1536 : i32
    %broadcast_in_dim3A_12 = vector.broadcast %broadcast_in_dim3A_11 : i32 to vector<16xi32>
    %iota3A = tpu.iota {dimensions = array<i32: 0>} : vector<16xi32>
    %scan3A = arith.constant 0 : i32
    %scan3A_13 = arith.constant 0 : i32
    %scan3A_14 = arith.constant 626 : i32
    %scan3A_15 = arith.addi %scan3A_13, %scan3A_14 : i32
    %scan3A_16 = arith.constant 1 : i32
    %scan3A_17 = scf.for %scan3A_153 = %scan3A_13 to %scan3A_15 step %scan3A_16 iter_args(%scan3A_154 = %scan3A) -> (i32)  : i32 {
      %mul3A_155 = arith.constant 16 : i32
      %mul3A_156 = arith.muli %scan3A_153, %mul3A_155 : i32
      %swap3A_157 = arith.index_cast %mul3A_156 : i32 to index
      %swap3A_158 = tpu.vector_load %arg15[%swap3A_157] {strides = array<i32>} : memref<10016xi32, #tpu.memory_space<vmem>>, vector<16xi32>,
      tpu.vector_store %arg15[%swap3A_157], %broadcast_in_dim3A_10 {strides = array<i32>} : memref<10016xi32, #tpu.memory_space<vmem>>, vector<16xi32>,
      %scan3A_159 = arith.constant 0 : i32
      scf.yield %scan3A_159 : i32
    }
    %scan3A_18 = arith.constant 626 : i32
    %scan3A_19 = arith.constant 0 : i32
    %scan3A_20 = arith.constant 0 : i32
    %scan3A_21 = arith.constant 640 : i32
    %scan3A_22 = arith.addi %scan3A_20, %scan3A_21 : i32
    %scan3A_23 = arith.constant 1 : i32
    %scan3A_24 = scf.for %scan3A_153 = %scan3A_20 to %scan3A_22 step %scan3A_23 iter_args(%scan3A_154 = %scan3A_19) -> (i32)  : i32 {
      %jit3A_155 = arith.constant 8 : i32
      %div3A_156 = arith.divsi %scan3A_153, %jit3A_155 : i32
      %sign3A_157 = arith.constant 0 : i32
      %sign3A_158 = arith.cmpi sgt, %scan3A_153, %sign3A_157 : i32
      %sign3A_159 = arith.extui %sign3A_158 : i1 to i32
      %sign3A_160 = arith.constant 0 : i32
      %sign3A_161 = arith.cmpi slt, %scan3A_153, %sign3A_160 : i32
      %sign3A_162 = arith.extui %sign3A_161 : i1 to i32
      %sign3A_163 = arith.subi %sign3A_159, %sign3A_162 : i32
      %sign3A_164 = arith.constant 0 : i32
      %sign3A_165 = arith.cmpi sgt, %jit3A_155, %sign3A_164 : i32
      %sign3A_166 = arith.extui %sign3A_165 : i1 to i32
      %sign3A_167 = arith.constant 0 : i32
      %sign3A_168 = arith.cmpi slt, %jit3A_155, %sign3A_167 : i32
      %sign3A_169 = arith.extui %sign3A_168 : i1 to i32
      %sign3A_170 = arith.subi %sign3A_166, %sign3A_169 : i32
      %ne3A_171 = arith.cmpi ne, %sign3A_163, %sign3A_170 : i32
      %rem3A_172 = arith.remsi %scan3A_153, %jit3A_155 : i32
      %ne3A_173 = arith.constant 0 : i32
      %ne3A_174 = arith.cmpi ne, %rem3A_172, %ne3A_173 : i32
      %and3A_175 = arith.andi %ne3A_171, %ne3A_174 : i1
      %sub3A_176 = arith.constant 1 : i32
      %sub3A_177 = arith.subi %div3A_156, %sub3A_176 : i32
      %select_n3A_178 = arith.select %and3A_175, %sub3A_177, %div3A_156 : i32
      %jit3A_179 = arith.constant 8 : i32
      %eq3A_180 = arith.constant 0 : i32
      %eq3A_181 = arith.cmpi eq, %jit3A_179, %eq3A_180 : i32
      %jit3A_182 = arith.constant 1 : i32
      %select_n3A_183 = arith.select %eq3A_181, %jit3A_182, %jit3A_179 : i32
      %rem3A_184 = arith.remsi %scan3A_153, %select_n3A_183 : i32
      %ne3A_185 = arith.constant 0 : i32
      %ne3A_186 = arith.cmpi ne, %rem3A_184, %ne3A_185 : i32
      %lt3A_187 = arith.constant 0 : i32
      %lt3A_188 = arith.cmpi slt, %rem3A_184, %lt3A_187 : i32
      %lt3A_189 = arith.constant 0 : i32
      %lt3A_190 = arith.cmpi slt, %select_n3A_183, %lt3A_189 : i32
      %ne3A_191 = arith.xori %lt3A_188, %lt3A_190 : i1
      %and3A_192 = arith.andi %ne3A_191, %ne3A_186 : i1
      %add3A_193 = arith.addi %rem3A_184, %select_n3A_183 : i32
      %select_n3A_194 = arith.select %and3A_192, %add3A_193, %rem3A_184 : i32
      %mul3A_195 = arith.constant 16 : i32
      %mul3A_196 = arith.muli %select_n3A_194, %mul3A_195 : i32
      %swap3A_197 = arith.constant 0 : i32
      %swap3A_198 = arith.index_cast %swap3A_197 : i32 to index
      %swap3A_199 = arith.index_cast %select_n3A_178 : i32 to index
      %swap3A_200 = arith.index_cast %mul3A_196 : i32 to index
      %swap3A_201 = tpu.vector_load %arg16[%swap3A_198, %swap3A_199, %swap3A_200] {strides = array<i32>} : memref<1x80x128xf32, #tpu.memory_space<vmem>>, vector<16xf32>,
      tpu.vector_store %arg16[%swap3A_198, %swap3A_199, %swap3A_200], %broadcast_in_dim3A_2 {strides = array<i32>} : memref<1x80x128xf32, #tpu.memory_space<vmem>>, vector<16xf32>,
      %scan3A_202 = arith.constant 0 : i32
      scf.yield %scan3A_202 : i32
    }
    %scan3A_25 = arith.constant 640 : i32
    %scan3A_26 = arith.constant 0 : i32
    %scan3A_27 = arith.constant 0 : i32
    %scan3A_28 = arith.constant 8 : i32
    %scan3A_29 = arith.addi %scan3A_27, %scan3A_28 : i32
    %scan3A_30 = arith.constant 1 : i32
    %scan3A_31 = scf.for %scan3A_153 = %scan3A_27 to %scan3A_29 step %scan3A_30 iter_args(%scan3A_154 = %scan3A_26) -> (i32)  : i32 {
      %mul3A_155 = arith.constant 16 : i32
      %mul3A_156 = arith.muli %scan3A_153, %mul3A_155 : i32
      %swap3A_157 = arith.index_cast %mul3A_156 : i32 to index
      %swap3A_158 = tpu.vector_load %arg23[%swap3A_157] {strides = array<i32>} : memref<128xf32, #tpu.memory_space<vmem>>, vector<16xf32>,
      tpu.vector_store %arg23[%swap3A_157], %broadcast_in_dim3A_2 {strides = array<i32>} : memref<128xf32, #tpu.memory_space<vmem>>, vector<16xf32>,
      %scan3A_159 = arith.constant 0 : i32
      scf.yield %scan3A_159 : i32
    }
    %scan3A_32 = arith.constant 8 : i32
    %swap3A = arith.constant 0 : index
    %swap3A_33 = tpu.vector_load %arg22[%swap3A] {strides = array<i32>} : memref<80xf32, #tpu.memory_space<vmem>>, vector<16xf32>,
    tpu.vector_store %arg22[%swap3A], %broadcast_in_dim3A_4 {strides = array<i32>} : memref<80xf32, #tpu.memory_space<vmem>>, vector<16xf32>,
    %swap3A_34 = arith.constant 16 : index
    %swap3A_35 = tpu.vector_load %arg22[%swap3A_34] {strides = array<i32>} : memref<80xf32, #tpu.memory_space<vmem>>, vector<16xf32>,
    tpu.vector_store %arg22[%swap3A_34], %broadcast_in_dim3A_4 {strides = array<i32>} : memref<80xf32, #tpu.memory_space<vmem>>, vector<16xf32>,
    %swap3A_36 = arith.constant 32 : index
    %swap3A_37 = tpu.vector_load %arg22[%swap3A_36] {strides = array<i32>} : memref<80xf32, #tpu.memory_space<vmem>>, vector<16xf32>,
    tpu.vector_store %arg22[%swap3A_36], %broadcast_in_dim3A_4 {strides = array<i32>} : memref<80xf32, #tpu.memory_space<vmem>>, vector<16xf32>,
    %swap3A_38 = arith.constant 48 : index
    %swap3A_39 = tpu.vector_load %arg22[%swap3A_38] {strides = array<i32>} : memref<80xf32, #tpu.memory_space<vmem>>, vector<16xf32>,
    tpu.vector_store %arg22[%swap3A_38], %broadcast_in_dim3A_4 {strides = array<i32>} : memref<80xf32, #tpu.memory_space<vmem>>, vector<16xf32>,
    %swap3A_40 = arith.constant 64 : index
    %swap3A_41 = tpu.vector_load %arg22[%swap3A_40] {strides = array<i32>} : memref<80xf32, #tpu.memory_space<vmem>>, vector<16xf32>,
    tpu.vector_store %arg22[%swap3A_40], %broadcast_in_dim3A_4 {strides = array<i32>} : memref<80xf32, #tpu.memory_space<vmem>>, vector<16xf32>,
    %scan3A_42 = arith.constant 0 : i32
    %scan3A_43 = arith.constant 0 : i32
    %scan3A_44 = arith.constant 94 : i32
    %scan3A_45 = arith.addi %scan3A_43, %scan3A_44 : i32
    %scan3A_46 = arith.constant 1 : i32
    %scan3A_47 = scf.for %scan3A_153 = %scan3A_43 to %scan3A_45 step %scan3A_46 iter_args(%scan3A_154 = %scan3A_42) -> (i32)  : i32 {
      %mul3A_155 = arith.constant 16 : i32
      %mul3A_156 = arith.muli %scan3A_153, %mul3A_155 : i32
      %get3A_157 = arith.index_cast %mul3A_156 : i32 to index
      %get3A_158 = tpu.vector_load %arg17[%get3A_157] {strides = array<i32>} : memref<1504xi32, #tpu.memory_space<vmem>>, vector<16xi32>,
      %mul3A_159 = arith.constant 16 : i32
      %mul3A_160 = arith.muli %scan3A_153, %mul3A_159 : i32
      %add3A_161 = vector.broadcast %mul3A_160 : i32 to vector<16xi32>
      %add3A_162 = arith.addi %iota3A, %add3A_161 : vector<16xi32>
      %lt3A_163 = arith.constant 1500 : i32
      %lt3A_164 = vector.broadcast %lt3A_163 : i32 to vector<16xi32>
      %lt3A_165 = arith.cmpi slt, %add3A_162, %lt3A_164 : vector<16xi32>
      %mul3A_166 = arith.constant 16 : i32
      %mul3A_167 = arith.muli %scan3A_153, %mul3A_166 : i32
      %add3A_168 = vector.broadcast %mul3A_167 : i32 to vector<16xi32>
      %add3A_169 = arith.addi %iota3A, %add3A_168 : vector<16xi32>
      tpu.vector_store_idx %arg15[%get3A_158], %add3A_169 masked %lt3A_165 : memref<10016xi32, #tpu.memory_space<vmem>>[vector<16xi32>], vector<16xi32>, vector<16xi1>
      %scan3A_170 = arith.constant 0 : i32
      scf.yield %scan3A_170 : i32
    }
    %scan3A_48 = arith.constant 94 : i32
    %mul3A_49 = arith.constant 128 : i32
    %mul3A_50 = arith.muli %arg1, %mul3A_49 : i32
    %run_scoped3A_51 = arith.constant 0 : i32
    "tpu.region"() ({
      %run_scoped3A_153 = tpu.sem_alloc : memref<!tpu.dma_semaphore, #tpu.memory_space<semaphore_mem>>
      %dma_start3A = arith.constant 0 : i32
      %dma_start3A_154 = arith.constant 0 : i32
      %dma_start3A_155 = tpu.memref_slice %arg16[%run_scoped3A_51, %dma_start3A, %dma_start3A_154] : memref<1x80x128xf32, #tpu.memory_space<vmem>> -> memref<1x80x128xf32, #tpu.memory_space<vmem>>
      %dma_start3A_156 = tpu.memref_squeeze %dma_start3A_155 : memref<1x80x128xf32, #tpu.memory_space<vmem>> -> memref<80x128xf32, #tpu.memory_space<vmem>>
      %dma_start3A_157 = arith.constant 0 : i32
      %dma_start3A_158 = tpu.memref_slice %arg25[%mul3A_50, %dma_start3A_157] : memref<2048x128xf32, #tpu.memory_space<vmem_shared>> -> memref<80x128xf32, #tpu.memory_space<vmem_shared>>
      %dma_start3A_159 = arith.constant 0 : i32
      %dma_start3A_160 = tpu.memref_slice %arg25[%mul3A_50, %dma_start3A_159] : memref<2048x128xf32, #tpu.memory_space<vmem_shared>> -> memref<80x128xf32, #tpu.memory_space<vmem_shared>>
      %dma_start3A_161 = arith.constant 0 : i32
      %dma_start3A_162 = arith.constant 0 : i32
      %dma_start3A_163 = tpu.memref_slice %arg16[%run_scoped3A_51, %dma_start3A_161, %dma_start3A_162] : memref<1x80x128xf32, #tpu.memory_space<vmem>> -> memref<1x80x128xf32, #tpu.memory_space<vmem>>
      %dma_start3A_164 = tpu.memref_squeeze %dma_start3A_163 : memref<1x80x128xf32, #tpu.memory_space<vmem>> -> memref<80x128xf32, #tpu.memory_space<vmem>>
      tpu.enqueue_dma source(%dma_start3A_164 : memref<80x128xf32, #tpu.memory_space<vmem>>) target(%dma_start3A_160 : memref<80x128xf32, #tpu.memory_space<vmem_shared>>) target_semaphore(%run_scoped3A_153 : memref<!tpu.dma_semaphore, #tpu.memory_space<semaphore_mem>>)
      %dma_wait3A = arith.constant 0 : i32
      %dma_wait3A_165 = arith.constant 0 : i32
      %dma_wait3A_166 = tpu.memref_slice %arg16[%run_scoped3A_51, %dma_wait3A, %dma_wait3A_165] : memref<1x80x128xf32, #tpu.memory_space<vmem>> -> memref<1x80x128xf32, #tpu.memory_space<vmem>>
      %dma_wait3A_167 = tpu.memref_squeeze %dma_wait3A_166 : memref<1x80x128xf32, #tpu.memory_space<vmem>> -> memref<80x128xf32, #tpu.memory_space<vmem>>
      %dma_wait3A_168 = arith.constant 0 : i32
      %dma_wait3A_169 = tpu.memref_slice %arg25[%mul3A_50, %dma_wait3A_168] : memref<2048x128xf32, #tpu.memory_space<vmem_shared>> -> memref<80x128xf32, #tpu.memory_space<vmem_shared>>
      %dma_wait3A_170 = arith.constant 0 : i32
      %dma_wait3A_171 = tpu.memref_slice %arg25[%mul3A_50, %dma_wait3A_170] : memref<2048x128xf32, #tpu.memory_space<vmem_shared>> -> memref<80x128xf32, #tpu.memory_space<vmem_shared>>
      %dma_wait3A_172 = arith.constant 0 : i32
      %dma_wait3A_173 = arith.constant 0 : i32
      %dma_wait3A_174 = tpu.memref_slice %arg16[%run_scoped3A_51, %dma_wait3A_172, %dma_wait3A_173] : memref<1x80x128xf32, #tpu.memory_space<vmem>> -> memref<1x80x128xf32, #tpu.memory_space<vmem>>
      %dma_wait3A_175 = tpu.memref_squeeze %dma_wait3A_174 : memref<1x80x128xf32, #tpu.memory_space<vmem>> -> memref<80x128xf32, #tpu.memory_space<vmem>>
      tpu.wait_dma2 semaphore(%run_scoped3A_153 : memref<!tpu.dma_semaphore, #tpu.memory_space<semaphore_mem>>) src(%dma_wait3A_175 : memref<80x128xf32, #tpu.memory_space<vmem>>) dst(%dma_wait3A_171 : memref<80x128xf32, #tpu.memory_space<vmem_shared>>)
      tpu.yield
    }) : () -> ()
    %mul3A_52 = arith.constant 128 : i32
    %mul3A_53 = arith.muli %arg1, %mul3A_52 : i32
    %add3A_54 = arith.constant 80 : i32
    %add3A_55 = arith.addi %mul3A_53, %add3A_54 : i32
    %run_scoped3A_56 = arith.constant 0 : i32
    "tpu.region"() ({
      %run_scoped3A_153 = tpu.sem_alloc : memref<!tpu.dma_semaphore, #tpu.memory_space<semaphore_mem>>
      %dma_start3A = arith.constant 0 : i32
      %dma_start3A_154 = arith.constant 0 : i32
      %dma_start3A_155 = tpu.memref_slice %arg16[%run_scoped3A_56, %dma_start3A, %dma_start3A_154] : memref<1x80x128xf32, #tpu.memory_space<vmem>> -> memref<1x48x128xf32, #tpu.memory_space<vmem>>
      %dma_start3A_156 = tpu.memref_squeeze %dma_start3A_155 : memref<1x48x128xf32, #tpu.memory_space<vmem>> -> memref<48x128xf32, #tpu.memory_space<vmem>>
      %dma_start3A_157 = arith.constant 0 : i32
      %dma_start3A_158 = tpu.memref_slice %arg25[%add3A_55, %dma_start3A_157] : memref<2048x128xf32, #tpu.memory_space<vmem_shared>> -> memref<48x128xf32, #tpu.memory_space<vmem_shared>>
      %dma_start3A_159 = arith.constant 0 : i32
      %dma_start3A_160 = tpu.memref_slice %arg25[%add3A_55, %dma_start3A_159] : memref<2048x128xf32, #tpu.memory_space<vmem_shared>> -> memref<48x128xf32, #tpu.memory_space<vmem_shared>>
      %dma_start3A_161 = arith.constant 0 : i32
      %dma_start3A_162 = arith.constant 0 : i32
      %dma_start3A_163 = tpu.memref_slice %arg16[%run_scoped3A_56, %dma_start3A_161, %dma_start3A_162] : memref<1x80x128xf32, #tpu.memory_space<vmem>> -> memref<1x48x128xf32, #tpu.memory_space<vmem>>
      %dma_start3A_164 = tpu.memref_squeeze %dma_start3A_163 : memref<1x48x128xf32, #tpu.memory_space<vmem>> -> memref<48x128xf32, #tpu.memory_space<vmem>>
      tpu.enqueue_dma source(%dma_start3A_164 : memref<48x128xf32, #tpu.memory_space<vmem>>) target(%dma_start3A_160 : memref<48x128xf32, #tpu.memory_space<vmem_shared>>) target_semaphore(%run_scoped3A_153 : memref<!tpu.dma_semaphore, #tpu.memory_space<semaphore_mem>>)
      %dma_wait3A = arith.constant 0 : i32
      %dma_wait3A_165 = arith.constant 0 : i32
      %dma_wait3A_166 = tpu.memref_slice %arg16[%run_scoped3A_56, %dma_wait3A, %dma_wait3A_165] : memref<1x80x128xf32, #tpu.memory_space<vmem>> -> memref<1x48x128xf32, #tpu.memory_space<vmem>>
      %dma_wait3A_167 = tpu.memref_squeeze %dma_wait3A_166 : memref<1x48x128xf32, #tpu.memory_space<vmem>> -> memref<48x128xf32, #tpu.memory_space<vmem>>
      %dma_wait3A_168 = arith.constant 0 : i32
      %dma_wait3A_169 = tpu.memref_slice %arg25[%add3A_55, %dma_wait3A_168] : memref<2048x128xf32, #tpu.memory_space<vmem_shared>> -> memref<48x128xf32, #tpu.memory_space<vmem_shared>>
      %dma_wait3A_170 = arith.constant 0 : i32
      %dma_wait3A_171 = tpu.memref_slice %arg25[%add3A_55, %dma_wait3A_170] : memref<2048x128xf32, #tpu.memory_space<vmem_shared>> -> memref<48x128xf32, #tpu.memory_space<vmem_shared>>
      %dma_wait3A_172 = arith.constant 0 : i32
      %dma_wait3A_173 = arith.constant 0 : i32
      %dma_wait3A_174 = tpu.memref_slice %arg16[%run_scoped3A_56, %dma_wait3A_172, %dma_wait3A_173] : memref<1x80x128xf32, #tpu.memory_space<vmem>> -> memref<1x48x128xf32, #tpu.memory_space<vmem>>
      %dma_wait3A_175 = tpu.memref_squeeze %dma_wait3A_174 : memref<1x48x128xf32, #tpu.memory_space<vmem>> -> memref<48x128xf32, #tpu.memory_space<vmem>>
      tpu.wait_dma2 semaphore(%run_scoped3A_153 : memref<!tpu.dma_semaphore, #tpu.memory_space<semaphore_mem>>) src(%dma_wait3A_175 : memref<48x128xf32, #tpu.memory_space<vmem>>) dst(%dma_wait3A_171 : memref<48x128xf32, #tpu.memory_space<vmem_shared>>)
      tpu.yield
    }) : () -> ()
    %mul3A_57 = arith.constant 128 : i32
    %mul3A_58 = arith.muli %arg1, %mul3A_57 : i32
    "tpu.region"() ({
      %run_scoped3A_153 = tpu.sem_alloc : memref<!tpu.dma_semaphore, #tpu.memory_space<semaphore_mem>>
      %dma_start3A = tpu.memref_slice %arg26[%mul3A_58] : memref<2048xf32, #tpu.memory_space<vmem_shared>> -> memref<128xf32, #tpu.memory_space<vmem_shared>>
      %dma_start3A_154 = tpu.memref_slice %arg26[%mul3A_58] : memref<2048xf32, #tpu.memory_space<vmem_shared>> -> memref<128xf32, #tpu.memory_space<vmem_shared>>
      tpu.enqueue_dma source(%arg23 : memref<128xf32, #tpu.memory_space<vmem>>) target(%dma_start3A_154 : memref<128xf32, #tpu.memory_space<vmem_shared>>) target_semaphore(%run_scoped3A_153 : memref<!tpu.dma_semaphore, #tpu.memory_space<semaphore_mem>>)
      %dma_wait3A = tpu.memref_slice %arg26[%mul3A_58] : memref<2048xf32, #tpu.memory_space<vmem_shared>> -> memref<128xf32, #tpu.memory_space<vmem_shared>>
      %dma_wait3A_155 = tpu.memref_slice %arg26[%mul3A_58] : memref<2048xf32, #tpu.memory_space<vmem_shared>> -> memref<128xf32, #tpu.memory_space<vmem_shared>>
      tpu.wait_dma2 semaphore(%run_scoped3A_153 : memref<!tpu.dma_semaphore, #tpu.memory_space<semaphore_mem>>) src(%arg23 : memref<128xf32, #tpu.memory_space<vmem>>) dst(%dma_wait3A_155 : memref<128xf32, #tpu.memory_space<vmem_shared>>)
      tpu.yield
    }) : () -> ()
    %barrier3A = arith.constant 0 : index
    tpu.barrier barrier_id(%barrier3A)
    %get3A = arith.constant 0 : i32
    %get3A_59 = arith.index_cast %get3A : i32 to index
    %get3A_60 = arith.constant 0 : index
    %get3A_61 = tpu.vector_load %arg18[%get3A_59, %get3A_60] {strides = array<i32>} : memref<2x16xf32, #tpu.memory_space<vmem>>, vector<16xf32>,
    %get3A_62 = arith.constant 1 : i32
    %get3A_63 = arith.index_cast %get3A_62 : i32 to index
    %get3A_64 = arith.constant 0 : index
    %get3A_65 = tpu.vector_load %arg18[%get3A_63, %get3A_64] {strides = array<i32>} : memref<2x16xf32, #tpu.memory_space<vmem>>, vector<16xf32>,
    %lt3A = arith.constant 19 : i32
    %lt3A_66 = arith.cmpi slt, %add3A, %lt3A : i32
    %convert_element_type3A = arith.extui %lt3A_66 : i1 to i32
    %cond3A = arith.constant 0 : i32
    %cond3A_67 = arith.cmpi ne, %convert_element_type3A, %cond3A : i32
    scf.if %cond3A_67 {
      "tpu.region"() ({
        %run_scoped3A_178 = tpu.sem_alloc : memref<!tpu.dma_semaphore, #tpu.memory_space<semaphore_mem>>
        %dma_start3A_179 = arith.constant 0 : i32
        %dma_start3A_180 = arith.constant 0 : i32
        %dma_start3A_181 = tpu.memref_slice %arg5[%add3A, %dma_start3A_179, %dma_start3A_180] : memref<19x1x80xi32, #tpu.memory_space<hbm>> -> memref<1x1x80xi32, #tpu.memory_space<hbm>>
        %dma_start3A_182 = tpu.memref_squeeze %dma_start3A_181 : memref<1x1x80xi32, #tpu.memory_space<hbm>> -> memref<1x80xi32, #tpu.memory_space<hbm>>
        %dma_start3A_183 = arith.constant 0 : i32
        %dma_start3A_184 = arith.constant 0 : i32
        %dma_start3A_185 = tpu.memref_slice %arg5[%add3A, %dma_start3A_183, %dma_start3A_184] : memref<19x1x80xi32, #tpu.memory_space<hbm>> -> memref<1x1x80xi32, #tpu.memory_space<hbm>>
        %dma_start3A_186 = tpu.memref_squeeze %dma_start3A_185 : memref<1x1x80xi32, #tpu.memory_space<hbm>> -> memref<1x80xi32, #tpu.memory_space<hbm>>
        tpu.enqueue_dma source(%dma_start3A_186 : memref<1x80xi32, #tpu.memory_space<hbm>>) target(%arg21 : memref<1x80xi32, #tpu.memory_space<vmem>>) target_semaphore(%run_scoped3A_178 : memref<!tpu.dma_semaphore, #tpu.memory_space<semaphore_mem>>)
        %dma_wait3A_187 = arith.constant 0 : i32
        %dma_wait3A_188 = arith.constant 0 : i32
        %dma_wait3A_189 = tpu.memref_slice %arg5[%add3A, %dma_wait3A_187, %dma_wait3A_188] : memref<19x1x80xi32, #tpu.memory_space<hbm>> -> memref<1x1x80xi32, #tpu.memory_space<hbm>>
        %dma_wait3A_190 = tpu.memref_squeeze %dma_wait3A_189 : memref<1x1x80xi32, #tpu.memory_space<hbm>> -> memref<1x80xi32, #tpu.memory_space<hbm>>
        %dma_wait3A_191 = arith.constant 0 : i32
        %dma_wait3A_192 = arith.constant 0 : i32
        %dma_wait3A_193 = tpu.memref_slice %arg5[%add3A, %dma_wait3A_191, %dma_wait3A_192] : memref<19x1x80xi32, #tpu.memory_space<hbm>> -> memref<1x1x80xi32, #tpu.memory_space<hbm>>
        %dma_wait3A_194 = tpu.memref_squeeze %dma_wait3A_193 : memref<1x1x80xi32, #tpu.memory_space<hbm>> -> memref<1x80xi32, #tpu.memory_space<hbm>>
        tpu.wait_dma2 semaphore(%run_scoped3A_178 : memref<!tpu.dma_semaphore, #tpu.memory_space<semaphore_mem>>) src(%dma_wait3A_194 : memref<1x80xi32, #tpu.memory_space<hbm>>) dst(%arg21 : memref<1x80xi32, #tpu.memory_space<vmem>>)
        tpu.yield
      }) : () -> ()
      %dma_start3A = arith.constant 0 : i32
      %dma_start3A_153 = arith.constant 0 : i32
      %dma_start3A_154 = arith.constant 0 : i32
      %dma_start3A_155 = arith.constant 0 : i32
      %dma_start3A_156 = tpu.memref_slice %arg16[%dma_start3A_153, %dma_start3A_154, %dma_start3A_155] : memref<1x80x128xf32, #tpu.memory_space<vmem>> -> memref<1x80x128xf32, #tpu.memory_space<vmem>>
      %dma_start3A_157 = tpu.memref_squeeze %dma_start3A_156 : memref<1x80x128xf32, #tpu.memory_space<vmem>> -> memref<80x128xf32, #tpu.memory_space<vmem>>
      %dma_start3A_158 = arith.constant 0 : i32
      %dma_start3A_159 = tpu.memref_slice %arg21[%dma_start3A, %dma_start3A_158] : memref<1x80xi32, #tpu.memory_space<vmem>> -> memref<1x80xi32, #tpu.memory_space<vmem>>
      %dma_start3A_160 = tpu.memref_squeeze %dma_start3A_159 : memref<1x80xi32, #tpu.memory_space<vmem>> -> memref<80xi32, #tpu.memory_space<vmem>>
      %dma_start3A_161 = arith.constant 0 : i32
      %dma_start3A_162 = arith.constant 0 : i32
      %dma_start3A_163 = tpu.memref_slice %arg2[%dma_start3A_161, %dma_start3A_162] : memref<10000x128xf32, #tpu.memory_space<hbm>> -> memref<10000x128xf32, #tpu.memory_space<hbm>>
      tpu.enqueue_indirect_dma source(%dma_start3A_163 : memref<10000x128xf32, #tpu.memory_space<hbm>>) target(%dma_start3A_157 : memref<80x128xf32, #tpu.memory_space<vmem>>) offsets(%dma_start3A_160 : memref<80xi32, #tpu.memory_space<vmem>>) semaphore(%arg27 : memref<!tpu.dma_semaphore, #tpu.memory_space<semaphore_mem>>)
      %dma_wait3A = arith.constant 0 : i32
      %dma_wait3A_164 = arith.constant 0 : i32
      %dma_wait3A_165 = arith.constant 0 : i32
      %dma_wait3A_166 = arith.constant 0 : i32
      %dma_wait3A_167 = tpu.memref_slice %arg16[%dma_wait3A_164, %dma_wait3A_165, %dma_wait3A_166] : memref<1x80x128xf32, #tpu.memory_space<vmem>> -> memref<1x80x128xf32, #tpu.memory_space<vmem>>
      %dma_wait3A_168 = tpu.memref_squeeze %dma_wait3A_167 : memref<1x80x128xf32, #tpu.memory_space<vmem>> -> memref<80x128xf32, #tpu.memory_space<vmem>>
      %dma_wait3A_169 = arith.constant 0 : i32
      %dma_wait3A_170 = tpu.memref_slice %arg21[%dma_wait3A, %dma_wait3A_169] : memref<1x80xi32, #tpu.memory_space<vmem>> -> memref<1x80xi32, #tpu.memory_space<vmem>>
      %dma_wait3A_171 = tpu.memref_squeeze %dma_wait3A_170 : memref<1x80xi32, #tpu.memory_space<vmem>> -> memref<80xi32, #tpu.memory_space<vmem>>
      %dma_wait3A_172 = arith.constant 0 : i32
      %dma_wait3A_173 = arith.constant 0 : i32
      %dma_wait3A_174 = tpu.memref_slice %arg2[%dma_wait3A_172, %dma_wait3A_173] : memref<10000x128xf32, #tpu.memory_space<hbm>> -> memref<10000x128xf32, #tpu.memory_space<hbm>>
      tpu.wait_indirect_dma semaphore(%arg27 : memref<!tpu.dma_semaphore, #tpu.memory_space<semaphore_mem>>) src(%dma_wait3A_174 : memref<10000x128xf32, #tpu.memory_space<hbm>>) dst(%dma_wait3A_168 : memref<80x128xf32, #tpu.memory_space<vmem>>)
      %mul3A_175 = arith.constant 80 : i32
      %mul3A_176 = arith.muli %add3A, %mul3A_175 : i32
      %run_scoped3A_177 = arith.constant 0 : i32
      "tpu.region"() ({
        %run_scoped3A_178 = tpu.sem_alloc : memref<!tpu.dma_semaphore, #tpu.memory_space<semaphore_mem>>
        %dma_start3A_179 = arith.constant 0 : i32
        %dma_start3A_180 = arith.constant 0 : i32
        %dma_start3A_181 = tpu.memref_slice %arg16[%run_scoped3A_177, %dma_start3A_179, %dma_start3A_180] : memref<1x80x128xf32, #tpu.memory_space<vmem>> -> memref<1x80x128xf32, #tpu.memory_space<vmem>>
        %dma_start3A_182 = tpu.memref_squeeze %dma_start3A_181 : memref<1x80x128xf32, #tpu.memory_space<vmem>> -> memref<80x128xf32, #tpu.memory_space<vmem>>
        %dma_start3A_183 = arith.constant 0 : i32
        %dma_start3A_184 = tpu.memref_slice %arg10[%mul3A_176, %dma_start3A_183] : memref<1520x128xf32, #tpu.memory_space<hbm>> -> memref<80x128xf32, #tpu.memory_space<hbm>>
        %dma_start3A_185 = arith.constant 0 : i32
        %dma_start3A_186 = tpu.memref_slice %arg10[%mul3A_176, %dma_start3A_185] : memref<1520x128xf32, #tpu.memory_space<hbm>> -> memref<80x128xf32, #tpu.memory_space<hbm>>
        %dma_start3A_187 = arith.constant 0 : i32
        %dma_start3A_188 = arith.constant 0 : i32
        %dma_start3A_189 = tpu.memref_slice %arg16[%run_scoped3A_177, %dma_start3A_187, %dma_start3A_188] : memref<1x80x128xf32, #tpu.memory_space<vmem>> -> memref<1x80x128xf32, #tpu.memory_space<vmem>>
        %dma_start3A_190 = tpu.memref_squeeze %dma_start3A_189 : memref<1x80x128xf32, #tpu.memory_space<vmem>> -> memref<80x128xf32, #tpu.memory_space<vmem>>
        tpu.enqueue_dma source(%dma_start3A_190 : memref<80x128xf32, #tpu.memory_space<vmem>>) target(%dma_start3A_186 : memref<80x128xf32, #tpu.memory_space<hbm>>) target_semaphore(%run_scoped3A_178 : memref<!tpu.dma_semaphore, #tpu.memory_space<semaphore_mem>>)
        %dma_wait3A_191 = arith.constant 0 : i32
        %dma_wait3A_192 = arith.constant 0 : i32
        %dma_wait3A_193 = tpu.memref_slice %arg16[%run_scoped3A_177, %dma_wait3A_191, %dma_wait3A_192] : memref<1x80x128xf32, #tpu.memory_space<vmem>> -> memref<1x80x128xf32, #tpu.memory_space<vmem>>
        %dma_wait3A_194 = tpu.memref_squeeze %dma_wait3A_193 : memref<1x80x128xf32, #tpu.memory_space<vmem>> -> memref<80x128xf32, #tpu.memory_space<vmem>>
        %dma_wait3A_195 = arith.constant 0 : i32
        %dma_wait3A_196 = tpu.memref_slice %arg10[%mul3A_176, %dma_wait3A_195] : memref<1520x128xf32, #tpu.memory_space<hbm>> -> memref<80x128xf32, #tpu.memory_space<hbm>>
        %dma_wait3A_197 = arith.constant 0 : i32
        %dma_wait3A_198 = tpu.memref_slice %arg10[%mul3A_176, %dma_wait3A_197] : memref<1520x128xf32, #tpu.memory_space<hbm>> -> memref<80x128xf32, #tpu.memory_space<hbm>>
        %dma_wait3A_199 = arith.constant 0 : i32
        %dma_wait3A_200 = arith.constant 0 : i32
        %dma_wait3A_201 = tpu.memref_slice %arg16[%run_scoped3A_177, %dma_wait3A_199, %dma_wait3A_200] : memref<1x80x128xf32, #tpu.memory_space<vmem>> -> memref<1x80x128xf32, #tpu.memory_space<vmem>>
        %dma_wait3A_202 = tpu.memref_squeeze %dma_wait3A_201 : memref<1x80x128xf32, #tpu.memory_space<vmem>> -> memref<80x128xf32, #tpu.memory_space<vmem>>
        tpu.wait_dma2 semaphore(%run_scoped3A_178 : memref<!tpu.dma_semaphore, #tpu.memory_space<semaphore_mem>>) src(%dma_wait3A_202 : memref<80x128xf32, #tpu.memory_space<vmem>>) dst(%dma_wait3A_198 : memref<80x128xf32, #tpu.memory_space<hbm>>)
        tpu.yield
      }) : () -> ()
    } else {
    }
    %eq3A = arith.constant 0 : i32
    %eq3A_68 = arith.cmpi eq, %arg0, %eq3A : i32
    %eq3A_69 = arith.constant 0 : i32
    %eq3A_70 = arith.cmpi eq, %arg1, %eq3A_69 : i32
    %and3A = arith.andi %eq3A_68, %eq3A_70 : i1
    %convert_element_type3A_71 = arith.extui %and3A : i1 to i32
    %cond3A_72 = arith.constant 0 : i32
    %cond3A_73 = arith.cmpi ne, %convert_element_type3A_71, %cond3A_72 : i32
    scf.if %cond3A_73 {
      %scan3A_153 = arith.constant 0 : i32
      %scan3A_154 = arith.constant 0 : i32
      %scan3A_155 = arith.constant 128 : i32
      %scan3A_156 = arith.addi %scan3A_154, %scan3A_155 : i32
      %scan3A_157 = arith.constant 1 : i32
      %scan3A_158 = scf.for %scan3A_167 = %scan3A_154 to %scan3A_156 step %scan3A_157 iter_args(%scan3A_168 = %scan3A_153) -> (i32)  : i32 {
        %mul3A_169 = arith.constant 16 : i32
        %mul3A_170 = arith.muli %scan3A_167, %mul3A_169 : i32
        %swap3A_171 = arith.index_cast %mul3A_170 : i32 to index
        %swap3A_172 = tpu.vector_load %arg24[%swap3A_171] {strides = array<i32>} : memref<2048xf32, #tpu.memory_space<vmem>>, vector<16xf32>,
        tpu.vector_store %arg24[%swap3A_171], %broadcast_in_dim3A_2 {strides = array<i32>} : memref<2048xf32, #tpu.memory_space<vmem>>, vector<16xf32>,
        %scan3A_173 = arith.constant 0 : i32
        scf.yield %scan3A_173 : i32
      }
      %scan3A_159 = arith.constant 128 : i32
      %scan3A_160 = arith.constant 0 : i32
      %scan3A_161 = arith.constant 0 : i32
      %scan3A_162 = arith.constant 94 : i32
      %scan3A_163 = arith.addi %scan3A_161, %scan3A_162 : i32
      %scan3A_164 = arith.constant 1 : i32
      %scan3A_165 = scf.for %scan3A_167 = %scan3A_161 to %scan3A_163 step %scan3A_164 iter_args(%scan3A_168 = %scan3A_160) -> (i32)  : i32 {
        %mul3A_169 = arith.constant 16 : i32
        %mul3A_170 = arith.muli %scan3A_167, %mul3A_169 : i32
        %get3A_171 = arith.index_cast %mul3A_170 : i32 to index
        %get3A_172 = tpu.vector_load %arg17[%get3A_171] {strides = array<i32>} : memref<1504xi32, #tpu.memory_space<vmem>>, vector<16xi32>,
        %gather3A = tpu.vector_load_idx %arg15[%get3A_172] : memref<10016xi32, #tpu.memory_space<vmem>>[vector<16xi32>], vector<16xi32>,
        %lt3A_173 = arith.constant 0 : i32
        %lt3A_174 = vector.broadcast %lt3A_173 : i32 to vector<16xi32>
        %lt3A_175 = arith.cmpi slt, %gather3A, %lt3A_174 : vector<16xi32>
        %select_n3A_176 = arith.select %lt3A_175, %broadcast_in_dim3A_12, %gather3A : vector<16xi1>, vector<16xi32>
        %mul3A_177 = arith.constant 16 : i32
        %mul3A_178 = arith.muli %scan3A_167, %mul3A_177 : i32
        %add3A_179 = vector.broadcast %mul3A_178 : i32 to vector<16xi32>
        %add3A_180 = arith.addi %iota3A, %add3A_179 : vector<16xi32>
        %lt3A_181 = arith.constant 1500 : i32
        %lt3A_182 = vector.broadcast %lt3A_181 : i32 to vector<16xi32>
        %lt3A_183 = arith.cmpi slt, %add3A_180, %lt3A_182 : vector<16xi32>
        tpu.vector_store_idx %arg24[%select_n3A_176], %broadcast_in_dim3A_4 masked %lt3A_183 {add = true} : memref<2048xf32, #tpu.memory_space<vmem>>[vector<16xi32>], vector<16xf32>, vector<16xi1>
        %scan3A_184 = arith.constant 0 : i32
        scf.yield %scan3A_184 : i32
      }
      %scan3A_166 = arith.constant 94 : i32
      "tpu.region"() ({
        %run_scoped3A_167 = tpu.sem_alloc : memref<!tpu.dma_semaphore, #tpu.memory_space<semaphore_mem>>
        tpu.enqueue_dma source(%arg24 : memref<2048xf32, #tpu.memory_space<vmem>>) target(%arg9 : memref<2048xf32, #tpu.memory_space<hbm>>) target_semaphore(%run_scoped3A_167 : memref<!tpu.dma_semaphore, #tpu.memory_space<semaphore_mem>>)
        tpu.wait_dma2 semaphore(%run_scoped3A_167 : memref<!tpu.dma_semaphore, #tpu.memory_space<semaphore_mem>>) src(%arg24 : memref<2048xf32, #tpu.memory_space<vmem>>) dst(%arg9 : memref<2048xf32, #tpu.memory_space<hbm>>)
        tpu.yield
      }) : () -> ()
    } else {
    }
    %broadcast_in_dim3A_74 = arith.constant 0 : i32
    %broadcast_in_dim3A_75 = vector.broadcast %broadcast_in_dim3A_74 : i32 to vector<16xi32>
    %scan3A_76 = arith.constant 0 : i32
    %scan3A_77 = arith.constant 625 : i32
    %scan3A_78 = arith.addi %scan3A_76, %scan3A_77 : i32
    %scan3A_79 = arith.constant 1 : i32
    %scan3A_80 = scf.for %scan3A_153 = %scan3A_76 to %scan3A_78 step %scan3A_79 iter_args(%scan3A_154 = %broadcast_in_dim3A_75) -> (vector<16xi32>)  : i32 {
      %mul3A_155 = arith.constant 16 : i32
      %mul3A_156 = arith.muli %scan3A_153, %mul3A_155 : i32
      %get3A_157 = arith.index_cast %mul3A_156 : i32 to index
      %get3A_158 = tpu.vector_load %arg12[%get3A_157] {strides = array<i32>} : memref<10000xi32, #tpu.memory_space<vmem>>, vector<16xi32>,
      %gather3A = tpu.vector_load_idx %arg15[%get3A_158] : memref<10016xi32, #tpu.memory_space<vmem>>[vector<16xi32>], vector<16xi32>,
      %ge3A = arith.constant 0 : i32
      %ge3A_159 = vector.broadcast %ge3A : i32 to vector<16xi32>
      %ge3A_160 = arith.cmpi sge, %gather3A, %ge3A_159 : vector<16xi32>
      %jit3A_161 = arith.constant 1 : i32
      %jit3A_162 = arith.constant 0 : i32
      %broadcast_in_dim3A_163 = vector.broadcast %jit3A_161 : i32 to vector<16xi32>
      %broadcast_in_dim3A_164 = vector.broadcast %jit3A_162 : i32 to vector<16xi32>
      %select_n3A_165 = arith.select %ge3A_160, %broadcast_in_dim3A_163, %broadcast_in_dim3A_164 : vector<16xi1>, vector<16xi32>
      %cumsum3A = arith.constant true
      %cumsum3A_166 = vector.broadcast %cumsum3A : i1 to vector<16xi1>
      %cumsum3A_167 = tpu.scan <sum>, %select_n3A_165 masked %cumsum3A_166 : vector<16xi32>, vector<16xi1> -> vector<16xi32>
      %add3A_168 = arith.addi %scan3A_154, %cumsum3A_167 : vector<16xi32>
      %sub3A_169 = arith.constant 1 : i32
      %sub3A_170 = vector.broadcast %sub3A_169 : i32 to vector<16xi32>
      %sub3A_171 = arith.subi %add3A_168, %sub3A_170 : vector<16xi32>
      %mul3A_172 = arith.constant 16 : i32
      %mul3A_173 = arith.muli %scan3A_153, %mul3A_172 : i32
      %get3A_174 = arith.index_cast %mul3A_173 : i32 to index
      %get3A_175 = tpu.vector_load %arg11[%get3A_174] {strides = array<i32>} : memref<10000xi32, #tpu.memory_space<vmem>>, vector<16xi32>,
      tpu.vector_store_idx %arg13[%sub3A_171], %get3A_175 masked %ge3A_160 : memref<10096xi32, #tpu.memory_space<vmem>>[vector<16xi32>], vector<16xi32>, vector<16xi1>
      tpu.vector_store_idx %arg14[%sub3A_171], %gather3A masked %ge3A_160 : memref<10096xi32, #tpu.memory_space<vmem>>[vector<16xi32>], vector<16xi32>, vector<16xi1>
      %all_reduce_population_count3A = tpu.all_reduce %ge3A_160 {dim = 0 : i64, kind = #tpu.reduction_kind<sum>} : vector<16xi1> -> vector<16xi32>
      %add3A_176 = arith.addi %scan3A_154, %all_reduce_population_count3A : vector<16xi32>
      scf.yield %add3A_176 : vector<16xi32>
    }
    %scan3A_81 = arith.constant 625 : i32
    %reduce_max3A = arith.constant true
    %reduce_max3A_82 = vector.broadcast %reduce_max3A : i1 to vector<16xi1>
    %reduce_max3A_83 = arith.constant -2147483648 : i32
    %reduce_max3A_84 = vector.broadcast %reduce_max3A_83 : i32 to vector<16xi32>
    %reduce_max3A_85 = arith.xori %scan3A_80, %reduce_max3A_84 : vector<16xi32>
    %reduce_max3A_86 = tpu.scan <max>, %reduce_max3A_85 masked %reduce_max3A_82 : vector<16xi32>, vector<16xi1> -> vector<16xi32>
    %reduce_max3A_87 = arith.xori %reduce_max3A_86, %reduce_max3A_84 : vector<16xi32>
    %reduce_max3A_88 = vector.extract %reduce_max3A_87[15] : i32 from vector<16xi32>
    %add3A_89 = vector.broadcast %reduce_max3A_88 : i32 to vector<16xi32>
    %add3A_90 = arith.addi %add3A_89, %iota3A : vector<16xi32>
    %add3A_91 = arith.constant 0 : i32
    %add3A_92 = vector.broadcast %add3A_91 : i32 to vector<16xi32>
    %add3A_93 = arith.addi %add3A_90, %add3A_92 : vector<16xi32>
    tpu.vector_store_idx %arg13[%add3A_93], %broadcast_in_dim3A_6 : memref<10096xi32, #tpu.memory_space<vmem>>[vector<16xi32>], vector<16xi32>,
    tpu.vector_store_idx %arg14[%add3A_93], %broadcast_in_dim3A_12 : memref<10096xi32, #tpu.memory_space<vmem>>[vector<16xi32>], vector<16xi32>,
    %add3A_94 = vector.broadcast %reduce_max3A_88 : i32 to vector<16xi32>
    %add3A_95 = arith.addi %add3A_94, %iota3A : vector<16xi32>
    %add3A_96 = arith.constant 16 : i32
    %add3A_97 = vector.broadcast %add3A_96 : i32 to vector<16xi32>
    %add3A_98 = arith.addi %add3A_95, %add3A_97 : vector<16xi32>
    tpu.vector_store_idx %arg13[%add3A_98], %broadcast_in_dim3A_6 : memref<10096xi32, #tpu.memory_space<vmem>>[vector<16xi32>], vector<16xi32>,
    tpu.vector_store_idx %arg14[%add3A_98], %broadcast_in_dim3A_12 : memref<10096xi32, #tpu.memory_space<vmem>>[vector<16xi32>], vector<16xi32>,
    %add3A_99 = vector.broadcast %reduce_max3A_88 : i32 to vector<16xi32>
    %add3A_100 = arith.addi %add3A_99, %iota3A : vector<16xi32>
    %add3A_101 = arith.constant 32 : i32
    %add3A_102 = vector.broadcast %add3A_101 : i32 to vector<16xi32>
    %add3A_103 = arith.addi %add3A_100, %add3A_102 : vector<16xi32>
    tpu.vector_store_idx %arg13[%add3A_103], %broadcast_in_dim3A_6 : memref<10096xi32, #tpu.memory_space<vmem>>[vector<16xi32>], vector<16xi32>,
    tpu.vector_store_idx %arg14[%add3A_103], %broadcast_in_dim3A_12 : memref<10096xi32, #tpu.memory_space<vmem>>[vector<16xi32>], vector<16xi32>,
    %add3A_104 = vector.broadcast %reduce_max3A_88 : i32 to vector<16xi32>
    %add3A_105 = arith.addi %add3A_104, %iota3A : vector<16xi32>
    %add3A_106 = arith.constant 48 : i32
    %add3A_107 = vector.broadcast %add3A_106 : i32 to vector<16xi32>
    %add3A_108 = arith.addi %add3A_105, %add3A_107 : vector<16xi32>
    tpu.vector_store_idx %arg13[%add3A_108], %broadcast_in_dim3A_6 : memref<10096xi32, #tpu.memory_space<vmem>>[vector<16xi32>], vector<16xi32>,
    tpu.vector_store_idx %arg14[%add3A_108], %broadcast_in_dim3A_12 : memref<10096xi32, #tpu.memory_space<vmem>>[vector<16xi32>], vector<16xi32>,
    %add3A_109 = vector.broadcast %reduce_max3A_88 : i32 to vector<16xi32>
    %add3A_110 = arith.addi %add3A_109, %iota3A : vector<16xi32>
    %add3A_111 = arith.constant 64 : i32
    %add3A_112 = vector.broadcast %add3A_111 : i32 to vector<16xi32>
    %add3A_113 = arith.addi %add3A_110, %add3A_112 : vector<16xi32>
    tpu.vector_store_idx %arg13[%add3A_113], %broadcast_in_dim3A_6 : memref<10096xi32, #tpu.memory_space<vmem>>[vector<16xi32>], vector<16xi32>,
    tpu.vector_store_idx %arg14[%add3A_113], %broadcast_in_dim3A_12 : memref<10096xi32, #tpu.memory_space<vmem>>[vector<16xi32>], vector<16xi32>,
    %add3A_114 = arith.constant 80 : i32
    %add3A_115 = arith.addi %reduce_max3A_88, %add3A_114 : i32
    %sub3A = arith.constant 1 : i32
    %sub3A_116 = arith.subi %add3A_115, %sub3A : i32
    %jit3A = arith.constant 80 : i32
    %div3A = arith.divsi %sub3A_116, %jit3A : i32
    %sign3A = arith.constant 0 : i32
    %sign3A_117 = arith.cmpi sgt, %sub3A_116, %sign3A : i32
    %sign3A_118 = arith.extui %sign3A_117 : i1 to i32
    %sign3A_119 = arith.constant 0 : i32
    %sign3A_120 = arith.cmpi slt, %sub3A_116, %sign3A_119 : i32
    %sign3A_121 = arith.extui %sign3A_120 : i1 to i32
    %sign3A_122 = arith.subi %sign3A_118, %sign3A_121 : i32
    %sign3A_123 = arith.constant 0 : i32
    %sign3A_124 = arith.cmpi sgt, %jit3A, %sign3A_123 : i32
    %sign3A_125 = arith.extui %sign3A_124 : i1 to i32
    %sign3A_126 = arith.constant 0 : i32
    %sign3A_127 = arith.cmpi slt, %jit3A, %sign3A_126 : i32
    %sign3A_128 = arith.extui %sign3A_127 : i1 to i32
    %sign3A_129 = arith.subi %sign3A_125, %sign3A_128 : i32
    %ne3A = arith.cmpi ne, %sign3A_122, %sign3A_129 : i32
    %rem3A = arith.remsi %sub3A_116, %jit3A : i32
    %ne3A_130 = arith.constant 0 : i32
    %ne3A_131 = arith.cmpi ne, %rem3A, %ne3A_130 : i32
    %and3A_132 = arith.andi %ne3A, %ne3A_131 : i1
    %sub3A_133 = arith.constant 1 : i32
    %sub3A_134 = arith.subi %div3A, %sub3A_133 : i32
    %select_n3A = arith.select %and3A_132, %sub3A_134, %div3A : i32
    %while3A = arith.constant 0 : i32
    %while3A_135 = arith.constant 0 : i32
    %while3A_136 = arith.subi %select_n3A, %while3A : i32
    %while3A_137 = arith.addi %while3A, %while3A_136 : i32
    %while3A_138 = arith.constant 1 : i32
    %while3A_139 = arith.divsi %while3A_136, %while3A_138 : i32
    %while3A_140 = arith.muli %while3A_139, %while3A_138 : i32
    %while3A_141 = arith.addi %while3A, %while3A_140 : i32
    %while3A_142 = arith.constant 1 : i32
    %while3A_143 = scf.for %while3A_153 = %while3A to %while3A_141 step %while3A_142 iter_args(%while3A_154 = %while3A_135) -> (i32)  : i32 {
      %mul3A_155 = arith.constant 80 : i32
      %mul3A_156 = arith.muli %while3A_153, %mul3A_155 : i32
      %add3A_157 = arith.constant 0 : i32
      %add3A_158 = arith.addi %mul3A_156, %add3A_157 : i32
      %get3A_159 = arith.index_cast %add3A_158 : i32 to index
      %get3A_160 = tpu.vector_load %arg13[%get3A_159] {strides = array<i32>} : memref<10096xi32, #tpu.memory_space<vmem>>, vector<16xi32>,
      %add3A_161 = arith.constant 0 : i32
      %add3A_162 = arith.addi %mul3A_156, %add3A_161 : i32
      %get3A_163 = arith.index_cast %add3A_162 : i32 to index
      %get3A_164 = tpu.vector_load %arg14[%get3A_163] {strides = array<i32>} : memref<10096xi32, #tpu.memory_space<vmem>>, vector<16xi32>,
      %swap3A_165 = arith.constant 0 : i32
      %swap3A_166 = arith.index_cast %swap3A_165 : i32 to index
      %swap3A_167 = arith.constant 0 : index
      %swap3A_168 = tpu.vector_load %arg19[%swap3A_166, %swap3A_167] {strides = array<i32>} : memref<1x80xi32, #tpu.memory_space<vmem>>, vector<16xi32>,
      tpu.vector_store %arg19[%swap3A_166, %swap3A_167], %get3A_160 {strides = array<i32>} : memref<1x80xi32, #tpu.memory_space<vmem>>, vector<16xi32>,
      %swap3A_169 = arith.constant 0 : i32
      %swap3A_170 = arith.index_cast %swap3A_169 : i32 to index
      %swap3A_171 = arith.constant 0 : index
      %swap3A_172 = tpu.vector_load %arg20[%swap3A_170, %swap3A_171] {strides = array<i32>} : memref<1x80xi32, #tpu.memory_space<vmem>>, vector<16xi32>,
      tpu.vector_store %arg20[%swap3A_170, %swap3A_171], %get3A_164 {strides = array<i32>} : memref<1x80xi32, #tpu.memory_space<vmem>>, vector<16xi32>,
      %add3A_173 = arith.constant 16 : i32
      %add3A_174 = arith.addi %mul3A_156, %add3A_173 : i32
      %get3A_175 = arith.index_cast %add3A_174 : i32 to index
      %get3A_176 = tpu.vector_load %arg13[%get3A_175] {strides = array<i32>} : memref<10096xi32, #tpu.memory_space<vmem>>, vector<16xi32>,
      %add3A_177 = arith.constant 16 : i32
      %add3A_178 = arith.addi %mul3A_156, %add3A_177 : i32
      %get3A_179 = arith.index_cast %add3A_178 : i32 to index
      %get3A_180 = tpu.vector_load %arg14[%get3A_179] {strides = array<i32>} : memref<10096xi32, #tpu.memory_space<vmem>>, vector<16xi32>,
      %swap3A_181 = arith.constant 0 : i32
      %swap3A_182 = arith.index_cast %swap3A_181 : i32 to index
      %swap3A_183 = arith.constant 16 : index
      %swap3A_184 = tpu.vector_load %arg19[%swap3A_182, %swap3A_183] {strides = array<i32>} : memref<1x80xi32, #tpu.memory_space<vmem>>, vector<16xi32>,
      tpu.vector_store %arg19[%swap3A_182, %swap3A_183], %get3A_176 {strides = array<i32>} : memref<1x80xi32, #tpu.memory_space<vmem>>, vector<16xi32>,
      %swap3A_185 = arith.constant 0 : i32
      %swap3A_186 = arith.index_cast %swap3A_185 : i32 to index
      %swap3A_187 = arith.constant 16 : index
      %swap3A_188 = tpu.vector_load %arg20[%swap3A_186, %swap3A_187] {strides = array<i32>} : memref<1x80xi32, #tpu.memory_space<vmem>>, vector<16xi32>,
      tpu.vector_store %arg20[%swap3A_186, %swap3A_187], %get3A_180 {strides = array<i32>} : memref<1x80xi32, #tpu.memory_space<vmem>>, vector<16xi32>,
      %add3A_189 = arith.constant 32 : i32
      %add3A_190 = arith.addi %mul3A_156, %add3A_189 : i32
      %get3A_191 = arith.index_cast %add3A_190 : i32 to index
      %get3A_192 = tpu.vector_load %arg13[%get3A_191] {strides = array<i32>} : memref<10096xi32, #tpu.memory_space<vmem>>, vector<16xi32>,
      %add3A_193 = arith.constant 32 : i32
      %add3A_194 = arith.addi %mul3A_156, %add3A_193 : i32
      %get3A_195 = arith.index_cast %add3A_194 : i32 to index
      %get3A_196 = tpu.vector_load %arg14[%get3A_195] {strides = array<i32>} : memref<10096xi32, #tpu.memory_space<vmem>>, vector<16xi32>,
      %swap3A_197 = arith.constant 0 : i32
      %swap3A_198 = arith.index_cast %swap3A_197 : i32 to index
      %swap3A_199 = arith.constant 32 : index
      %swap3A_200 = tpu.vector_load %arg19[%swap3A_198, %swap3A_199] {strides = array<i32>} : memref<1x80xi32, #tpu.memory_space<vmem>>, vector<16xi32>,
      tpu.vector_store %arg19[%swap3A_198, %swap3A_199], %get3A_192 {strides = array<i32>} : memref<1x80xi32, #tpu.memory_space<vmem>>, vector<16xi32>,
      %swap3A_201 = arith.constant 0 : i32
      %swap3A_202 = arith.index_cast %swap3A_201 : i32 to index
      %swap3A_203 = arith.constant 32 : index
      %swap3A_204 = tpu.vector_load %arg20[%swap3A_202, %swap3A_203] {strides = array<i32>} : memref<1x80xi32, #tpu.memory_space<vmem>>, vector<16xi32>,
      tpu.vector_store %arg20[%swap3A_202, %swap3A_203], %get3A_196 {strides = array<i32>} : memref<1x80xi32, #tpu.memory_space<vmem>>, vector<16xi32>,
      %add3A_205 = arith.constant 48 : i32
      %add3A_206 = arith.addi %mul3A_156, %add3A_205 : i32
      %get3A_207 = arith.index_cast %add3A_206 : i32 to index
      %get3A_208 = tpu.vector_load %arg13[%get3A_207] {strides = array<i32>} : memref<10096xi32, #tpu.memory_space<vmem>>, vector<16xi32>,
      %add3A_209 = arith.constant 48 : i32
      %add3A_210 = arith.addi %mul3A_156, %add3A_209 : i32
      %get3A_211 = arith.index_cast %add3A_210 : i32 to index
      %get3A_212 = tpu.vector_load %arg14[%get3A_211] {strides = array<i32>} : memref<10096xi32, #tpu.memory_space<vmem>>, vector<16xi32>,
      %swap3A_213 = arith.constant 0 : i32
      %swap3A_214 = arith.index_cast %swap3A_213 : i32 to index
      %swap3A_215 = arith.constant 48 : index
      %swap3A_216 = tpu.vector_load %arg19[%swap3A_214, %swap3A_215] {strides = array<i32>} : memref<1x80xi32, #tpu.memory_space<vmem>>, vector<16xi32>,
      tpu.vector_store %arg19[%swap3A_214, %swap3A_215], %get3A_208 {strides = array<i32>} : memref<1x80xi32, #tpu.memory_space<vmem>>, vector<16xi32>,
      %swap3A_217 = arith.constant 0 : i32
      %swap3A_218 = arith.index_cast %swap3A_217 : i32 to index
      %swap3A_219 = arith.constant 48 : index
      %swap3A_220 = tpu.vector_load %arg20[%swap3A_218, %swap3A_219] {strides = array<i32>} : memref<1x80xi32, #tpu.memory_space<vmem>>, vector<16xi32>,
      tpu.vector_store %arg20[%swap3A_218, %swap3A_219], %get3A_212 {strides = array<i32>} : memref<1x80xi32, #tpu.memory_space<vmem>>, vector<16xi32>,
      %add3A_221 = arith.constant 64 : i32
      %add3A_222 = arith.addi %mul3A_156, %add3A_221 : i32
      %get3A_223 = arith.index_cast %add3A_222 : i32 to index
      %get3A_224 = tpu.vector_load %arg13[%get3A_223] {strides = array<i32>} : memref<10096xi32, #tpu.memory_space<vmem>>, vector<16xi32>,
      %add3A_225 = arith.constant 64 : i32
      %add3A_226 = arith.addi %mul3A_156, %add3A_225 : i32
      %get3A_227 = arith.index_cast %add3A_226 : i32 to index
      %get3A_228 = tpu.vector_load %arg14[%get3A_227] {strides = array<i32>} : memref<10096xi32, #tpu.memory_space<vmem>>, vector<16xi32>,
      %swap3A_229 = arith.constant 0 : i32
      %swap3A_230 = arith.index_cast %swap3A_229 : i32 to index
      %swap3A_231 = arith.constant 64 : index
      %swap3A_232 = tpu.vector_load %arg19[%swap3A_230, %swap3A_231] {strides = array<i32>} : memref<1x80xi32, #tpu.memory_space<vmem>>, vector<16xi32>,
      tpu.vector_store %arg19[%swap3A_230, %swap3A_231], %get3A_224 {strides = array<i32>} : memref<1x80xi32, #tpu.memory_space<vmem>>, vector<16xi32>,
      %swap3A_233 = arith.constant 0 : i32
      %swap3A_234 = arith.index_cast %swap3A_233 : i32 to index
      %swap3A_235 = arith.constant 64 : index
      %swap3A_236 = tpu.vector_load %arg20[%swap3A_234, %swap3A_235] {strides = array<i32>} : memref<1x80xi32, #tpu.memory_space<vmem>>, vector<16xi32>,
      tpu.vector_store %arg20[%swap3A_234, %swap3A_235], %get3A_228 {strides = array<i32>} : memref<1x80xi32, #tpu.memory_space<vmem>>, vector<16xi32>,
      %dma_start3A = arith.constant 0 : i32
      %dma_start3A_237 = arith.constant 0 : i32
      %dma_start3A_238 = arith.constant 0 : i32
      %dma_start3A_239 = arith.constant 0 : i32
      %dma_start3A_240 = tpu.memref_slice %arg16[%dma_start3A_237, %dma_start3A_238, %dma_start3A_239] : memref<1x80x128xf32, #tpu.memory_space<vmem>> -> memref<1x80x128xf32, #tpu.memory_space<vmem>>
      %dma_start3A_241 = tpu.memref_squeeze %dma_start3A_240 : memref<1x80x128xf32, #tpu.memory_space<vmem>> -> memref<80x128xf32, #tpu.memory_space<vmem>>
      %dma_start3A_242 = arith.constant 0 : i32
      %dma_start3A_243 = tpu.memref_slice %arg19[%dma_start3A, %dma_start3A_242] : memref<1x80xi32, #tpu.memory_space<vmem>> -> memref<1x80xi32, #tpu.memory_space<vmem>>
      %dma_start3A_244 = tpu.memref_squeeze %dma_start3A_243 : memref<1x80xi32, #tpu.memory_space<vmem>> -> memref<80xi32, #tpu.memory_space<vmem>>
      %dma_start3A_245 = arith.constant 0 : i32
      %dma_start3A_246 = arith.constant 0 : i32
      %dma_start3A_247 = tpu.memref_slice %arg2[%dma_start3A_245, %dma_start3A_246] : memref<10000x128xf32, #tpu.memory_space<hbm>> -> memref<10000x128xf32, #tpu.memory_space<hbm>>
      tpu.enqueue_indirect_dma source(%dma_start3A_247 : memref<10000x128xf32, #tpu.memory_space<hbm>>) target(%dma_start3A_241 : memref<80x128xf32, #tpu.memory_space<vmem>>) offsets(%dma_start3A_244 : memref<80xi32, #tpu.memory_space<vmem>>) semaphore(%arg27 : memref<!tpu.dma_semaphore, #tpu.memory_space<semaphore_mem>>)
      %dma_wait3A = arith.constant 0 : i32
      %dma_wait3A_248 = arith.constant 0 : i32
      %dma_wait3A_249 = arith.constant 0 : i32
      %dma_wait3A_250 = arith.constant 0 : i32
      %dma_wait3A_251 = tpu.memref_slice %arg16[%dma_wait3A_248, %dma_wait3A_249, %dma_wait3A_250] : memref<1x80x128xf32, #tpu.memory_space<vmem>> -> memref<1x80x128xf32, #tpu.memory_space<vmem>>
      %dma_wait3A_252 = tpu.memref_squeeze %dma_wait3A_251 : memref<1x80x128xf32, #tpu.memory_space<vmem>> -> memref<80x128xf32, #tpu.memory_space<vmem>>
      %dma_wait3A_253 = arith.constant 0 : i32
      %dma_wait3A_254 = tpu.memref_slice %arg19[%dma_wait3A, %dma_wait3A_253] : memref<1x80xi32, #tpu.memory_space<vmem>> -> memref<1x80xi32, #tpu.memory_space<vmem>>
      %dma_wait3A_255 = tpu.memref_squeeze %dma_wait3A_254 : memref<1x80xi32, #tpu.memory_space<vmem>> -> memref<80xi32, #tpu.memory_space<vmem>>
      %dma_wait3A_256 = arith.constant 0 : i32
      %dma_wait3A_257 = arith.constant 0 : i32
      %dma_wait3A_258 = tpu.memref_slice %arg2[%dma_wait3A_256, %dma_wait3A_257] : memref<10000x128xf32, #tpu.memory_space<hbm>> -> memref<10000x128xf32, #tpu.memory_space<hbm>>
      tpu.wait_indirect_dma semaphore(%arg27 : memref<!tpu.dma_semaphore, #tpu.memory_space<semaphore_mem>>) src(%dma_wait3A_258 : memref<10000x128xf32, #tpu.memory_space<hbm>>) dst(%dma_wait3A_252 : memref<80x128xf32, #tpu.memory_space<vmem>>)
      %gather3A = tpu.vector_load_idx %arg15[%get3A_160] : memref<10016xi32, #tpu.memory_space<vmem>>[vector<16xi32>], vector<16xi32>,
      %ge3A = arith.constant 0 : i32
      %ge3A_259 = vector.broadcast %ge3A : i32 to vector<16xi32>
      %ge3A_260 = arith.cmpi sge, %gather3A, %ge3A_259 : vector<16xi32>
      %add3A_261 = arith.constant 0 : i32
      %add3A_262 = vector.broadcast %add3A_261 : i32 to vector<16xi32>
      %add3A_263 = arith.addi %iota3A, %add3A_262 : vector<16xi32>
      %scatter3A = arith.constant 0 : i32
      %scatter3A_264 = arith.constant 0 : i32
      %scatter3A_265 = arith.constant 0 : i32
      %scatter3A_266 = tpu.memref_slice %arg16[%scatter3A, %scatter3A_264, %scatter3A_265] : memref<1x80x128xf32, #tpu.memory_space<vmem>> -> memref<1x80x128xf32, #tpu.memory_space<vmem>>
      %scatter3A_267 = tpu.memref_squeeze %scatter3A_266 : memref<1x80x128xf32, #tpu.memory_space<vmem>> -> memref<80x128xf32, #tpu.memory_space<vmem>>
      tpu.vector_store_idx %scatter3A_267[%add3A_263, %broadcast_in_dim3A_6], %get3A_61 masked %ge3A_260 : memref<80x128xf32, #tpu.memory_space<vmem>>[vector<16xi32>, vector<16xi32>], vector<16xf32>, vector<16xi1>
      %scatter3A_268 = arith.constant 0 : i32
      %scatter3A_269 = arith.constant 0 : i32
      %scatter3A_270 = arith.constant 0 : i32
      %scatter3A_271 = tpu.memref_slice %arg16[%scatter3A_268, %scatter3A_269, %scatter3A_270] : memref<1x80x128xf32, #tpu.memory_space<vmem>> -> memref<1x80x128xf32, #tpu.memory_space<vmem>>
      %scatter3A_272 = tpu.memref_squeeze %scatter3A_271 : memref<1x80x128xf32, #tpu.memory_space<vmem>> -> memref<80x128xf32, #tpu.memory_space<vmem>>
      tpu.vector_store_idx %scatter3A_272[%add3A_263, %broadcast_in_dim3A_8], %get3A_65 masked %ge3A_260 : memref<80x128xf32, #tpu.memory_space<vmem>>[vector<16xi32>, vector<16xi32>], vector<16xf32>, vector<16xi1>
      %gather3A_273 = tpu.vector_load_idx %arg15[%get3A_176] : memref<10016xi32, #tpu.memory_space<vmem>>[vector<16xi32>], vector<16xi32>,
      %ge3A_274 = arith.constant 0 : i32
      %ge3A_275 = vector.broadcast %ge3A_274 : i32 to vector<16xi32>
      %ge3A_276 = arith.cmpi sge, %gather3A_273, %ge3A_275 : vector<16xi32>
      %add3A_277 = arith.constant 16 : i32
      %add3A_278 = vector.broadcast %add3A_277 : i32 to vector<16xi32>
      %add3A_279 = arith.addi %iota3A, %add3A_278 : vector<16xi32>
      %scatter3A_280 = arith.constant 0 : i32
      %scatter3A_281 = arith.constant 0 : i32
      %scatter3A_282 = arith.constant 0 : i32
      %scatter3A_283 = tpu.memref_slice %arg16[%scatter3A_280, %scatter3A_281, %scatter3A_282] : memref<1x80x128xf32, #tpu.memory_space<vmem>> -> memref<1x80x128xf32, #tpu.memory_space<vmem>>
      %scatter3A_284 = tpu.memref_squeeze %scatter3A_283 : memref<1x80x128xf32, #tpu.memory_space<vmem>> -> memref<80x128xf32, #tpu.memory_space<vmem>>
      tpu.vector_store_idx %scatter3A_284[%add3A_279, %broadcast_in_dim3A_6], %get3A_61 masked %ge3A_276 : memref<80x128xf32, #tpu.memory_space<vmem>>[vector<16xi32>, vector<16xi32>], vector<16xf32>, vector<16xi1>
      %scatter3A_285 = arith.constant 0 : i32
      %scatter3A_286 = arith.constant 0 : i32
      %scatter3A_287 = arith.constant 0 : i32
      %scatter3A_288 = tpu.memref_slice %arg16[%scatter3A_285, %scatter3A_286, %scatter3A_287] : memref<1x80x128xf32, #tpu.memory_space<vmem>> -> memref<1x80x128xf32, #tpu.memory_space<vmem>>
      %scatter3A_289 = tpu.memref_squeeze %scatter3A_288 : memref<1x80x128xf32, #tpu.memory_space<vmem>> -> memref<80x128xf32, #tpu.memory_space<vmem>>
      tpu.vector_store_idx %scatter3A_289[%add3A_279, %broadcast_in_dim3A_8], %get3A_65 masked %ge3A_276 : memref<80x128xf32, #tpu.memory_space<vmem>>[vector<16xi32>, vector<16xi32>], vector<16xf32>, vector<16xi1>
      %gather3A_290 = tpu.vector_load_idx %arg15[%get3A_192] : memref<10016xi32, #tpu.memory_space<vmem>>[vector<16xi32>], vector<16xi32>,
      %ge3A_291 = arith.constant 0 : i32
      %ge3A_292 = vector.broadcast %ge3A_291 : i32 to vector<16xi32>
      %ge3A_293 = arith.cmpi sge, %gather3A_290, %ge3A_292 : vector<16xi32>
      %add3A_294 = arith.constant 32 : i32
      %add3A_295 = vector.broadcast %add3A_294 : i32 to vector<16xi32>
      %add3A_296 = arith.addi %iota3A, %add3A_295 : vector<16xi32>
      %scatter3A_297 = arith.constant 0 : i32
      %scatter3A_298 = arith.constant 0 : i32
      %scatter3A_299 = arith.constant 0 : i32
      %scatter3A_300 = tpu.memref_slice %arg16[%scatter3A_297, %scatter3A_298, %scatter3A_299] : memref<1x80x128xf32, #tpu.memory_space<vmem>> -> memref<1x80x128xf32, #tpu.memory_space<vmem>>
      %scatter3A_301 = tpu.memref_squeeze %scatter3A_300 : memref<1x80x128xf32, #tpu.memory_space<vmem>> -> memref<80x128xf32, #tpu.memory_space<vmem>>
      tpu.vector_store_idx %scatter3A_301[%add3A_296, %broadcast_in_dim3A_6], %get3A_61 masked %ge3A_293 : memref<80x128xf32, #tpu.memory_space<vmem>>[vector<16xi32>, vector<16xi32>], vector<16xf32>, vector<16xi1>
      %scatter3A_302 = arith.constant 0 : i32
      %scatter3A_303 = arith.constant 0 : i32
      %scatter3A_304 = arith.constant 0 : i32
      %scatter3A_305 = tpu.memref_slice %arg16[%scatter3A_302, %scatter3A_303, %scatter3A_304] : memref<1x80x128xf32, #tpu.memory_space<vmem>> -> memref<1x80x128xf32, #tpu.memory_space<vmem>>
      %scatter3A_306 = tpu.memref_squeeze %scatter3A_305 : memref<1x80x128xf32, #tpu.memory_space<vmem>> -> memref<80x128xf32, #tpu.memory_space<vmem>>
      tpu.vector_store_idx %scatter3A_306[%add3A_296, %broadcast_in_dim3A_8], %get3A_65 masked %ge3A_293 : memref<80x128xf32, #tpu.memory_space<vmem>>[vector<16xi32>, vector<16xi32>], vector<16xf32>, vector<16xi1>
      %gather3A_307 = tpu.vector_load_idx %arg15[%get3A_208] : memref<10016xi32, #tpu.memory_space<vmem>>[vector<16xi32>], vector<16xi32>,
      %ge3A_308 = arith.constant 0 : i32
      %ge3A_309 = vector.broadcast %ge3A_308 : i32 to vector<16xi32>
      %ge3A_310 = arith.cmpi sge, %gather3A_307, %ge3A_309 : vector<16xi32>
      %add3A_311 = arith.constant 48 : i32
      %add3A_312 = vector.broadcast %add3A_311 : i32 to vector<16xi32>
      %add3A_313 = arith.addi %iota3A, %add3A_312 : vector<16xi32>
      %scatter3A_314 = arith.constant 0 : i32
      %scatter3A_315 = arith.constant 0 : i32
      %scatter3A_316 = arith.constant 0 : i32
      %scatter3A_317 = tpu.memref_slice %arg16[%scatter3A_314, %scatter3A_315, %scatter3A_316] : memref<1x80x128xf32, #tpu.memory_space<vmem>> -> memref<1x80x128xf32, #tpu.memory_space<vmem>>
      %scatter3A_318 = tpu.memref_squeeze %scatter3A_317 : memref<1x80x128xf32, #tpu.memory_space<vmem>> -> memref<80x128xf32, #tpu.memory_space<vmem>>
      tpu.vector_store_idx %scatter3A_318[%add3A_313, %broadcast_in_dim3A_6], %get3A_61 masked %ge3A_310 : memref<80x128xf32, #tpu.memory_space<vmem>>[vector<16xi32>, vector<16xi32>], vector<16xf32>, vector<16xi1>
      %scatter3A_319 = arith.constant 0 : i32
      %scatter3A_320 = arith.constant 0 : i32
      %scatter3A_321 = arith.constant 0 : i32
      %scatter3A_322 = tpu.memref_slice %arg16[%scatter3A_319, %scatter3A_320, %scatter3A_321] : memref<1x80x128xf32, #tpu.memory_space<vmem>> -> memref<1x80x128xf32, #tpu.memory_space<vmem>>
      %scatter3A_323 = tpu.memref_squeeze %scatter3A_322 : memref<1x80x128xf32, #tpu.memory_space<vmem>> -> memref<80x128xf32, #tpu.memory_space<vmem>>
      tpu.vector_store_idx %scatter3A_323[%add3A_313, %broadcast_in_dim3A_8], %get3A_65 masked %ge3A_310 : memref<80x128xf32, #tpu.memory_space<vmem>>[vector<16xi32>, vector<16xi32>], vector<16xf32>, vector<16xi1>
      %gather3A_324 = tpu.vector_load_idx %arg15[%get3A_224] : memref<10016xi32, #tpu.memory_space<vmem>>[vector<16xi32>], vector<16xi32>,
      %ge3A_325 = arith.constant 0 : i32
      %ge3A_326 = vector.broadcast %ge3A_325 : i32 to vector<16xi32>
      %ge3A_327 = arith.cmpi sge, %gather3A_324, %ge3A_326 : vector<16xi32>
      %add3A_328 = arith.constant 64 : i32
      %add3A_329 = vector.broadcast %add3A_328 : i32 to vector<16xi32>
      %add3A_330 = arith.addi %iota3A, %add3A_329 : vector<16xi32>
      %scatter3A_331 = arith.constant 0 : i32
      %scatter3A_332 = arith.constant 0 : i32
      %scatter3A_333 = arith.constant 0 : i32
      %scatter3A_334 = tpu.memref_slice %arg16[%scatter3A_331, %scatter3A_332, %scatter3A_333] : memref<1x80x128xf32, #tpu.memory_space<vmem>> -> memref<1x80x128xf32, #tpu.memory_space<vmem>>
      %scatter3A_335 = tpu.memref_squeeze %scatter3A_334 : memref<1x80x128xf32, #tpu.memory_space<vmem>> -> memref<80x128xf32, #tpu.memory_space<vmem>>
      tpu.vector_store_idx %scatter3A_335[%add3A_330, %broadcast_in_dim3A_6], %get3A_61 masked %ge3A_327 : memref<80x128xf32, #tpu.memory_space<vmem>>[vector<16xi32>, vector<16xi32>], vector<16xf32>, vector<16xi1>
      %scatter3A_336 = arith.constant 0 : i32
      %scatter3A_337 = arith.constant 0 : i32
      %scatter3A_338 = arith.constant 0 : i32
      %scatter3A_339 = tpu.memref_slice %arg16[%scatter3A_336, %scatter3A_337, %scatter3A_338] : memref<1x80x128xf32, #tpu.memory_space<vmem>> -> memref<1x80x128xf32, #tpu.memory_space<vmem>>
      %scatter3A_340 = tpu.memref_squeeze %scatter3A_339 : memref<1x80x128xf32, #tpu.memory_space<vmem>> -> memref<80x128xf32, #tpu.memory_space<vmem>>
      tpu.vector_store_idx %scatter3A_340[%add3A_330, %broadcast_in_dim3A_8], %get3A_65 masked %ge3A_327 : memref<80x128xf32, #tpu.memory_space<vmem>>[vector<16xi32>, vector<16xi32>], vector<16xf32>, vector<16xi1>
      %run_scoped3A_341 = arith.constant 0 : i32
      %run_scoped3A_342 = arith.constant 0 : i32
      "tpu.region"() ({
        %run_scoped3A_345 = tpu.sem_alloc : memref<!tpu.dma_semaphore, #tpu.memory_space<semaphore_mem>>
        %dma_start3A_346 = arith.constant 0 : i32
        %dma_start3A_347 = arith.constant 0 : i32
        %dma_start3A_348 = tpu.memref_slice %arg16[%run_scoped3A_341, %dma_start3A_346, %dma_start3A_347] : memref<1x80x128xf32, #tpu.memory_space<vmem>> -> memref<1x80x128xf32, #tpu.memory_space<vmem>>
        %dma_start3A_349 = tpu.memref_squeeze %dma_start3A_348 : memref<1x80x128xf32, #tpu.memory_space<vmem>> -> memref<80x128xf32, #tpu.memory_space<vmem>>
        %dma_start3A_350 = arith.constant 0 : i32
        %dma_start3A_351 = tpu.memref_slice %arg20[%run_scoped3A_342, %dma_start3A_350] : memref<1x80xi32, #tpu.memory_space<vmem>> -> memref<1x80xi32, #tpu.memory_space<vmem>>
        %dma_start3A_352 = tpu.memref_squeeze %dma_start3A_351 : memref<1x80xi32, #tpu.memory_space<vmem>> -> memref<80xi32, #tpu.memory_space<vmem>>
        %dma_start3A_353 = arith.constant 0 : i32
        %dma_start3A_354 = arith.constant 0 : i32
        %dma_start3A_355 = tpu.memref_slice %arg25[%dma_start3A_353, %dma_start3A_354] : memref<2048x128xf32, #tpu.memory_space<vmem_shared>> -> memref<2048x128xf32, #tpu.memory_space<vmem_shared>>
        tpu.enqueue_indirect_dma source(%dma_start3A_349 : memref<80x128xf32, #tpu.memory_space<vmem>>) target(%dma_start3A_355 : memref<2048x128xf32, #tpu.memory_space<vmem_shared>>) offsets(%dma_start3A_352 : memref<80xi32, #tpu.memory_space<vmem>>) semaphore(%run_scoped3A_345 : memref<!tpu.dma_semaphore, #tpu.memory_space<semaphore_mem>>) {add = true}
        %dma_wait3A_356 = arith.constant 0 : i32
        %dma_wait3A_357 = arith.constant 0 : i32
        %dma_wait3A_358 = tpu.memref_slice %arg16[%run_scoped3A_341, %dma_wait3A_356, %dma_wait3A_357] : memref<1x80x128xf32, #tpu.memory_space<vmem>> -> memref<1x80x128xf32, #tpu.memory_space<vmem>>
        %dma_wait3A_359 = tpu.memref_squeeze %dma_wait3A_358 : memref<1x80x128xf32, #tpu.memory_space<vmem>> -> memref<80x128xf32, #tpu.memory_space<vmem>>
        %dma_wait3A_360 = arith.constant 0 : i32
        %dma_wait3A_361 = tpu.memref_slice %arg20[%run_scoped3A_342, %dma_wait3A_360] : memref<1x80xi32, #tpu.memory_space<vmem>> -> memref<1x80xi32, #tpu.memory_space<vmem>>
        %dma_wait3A_362 = tpu.memref_squeeze %dma_wait3A_361 : memref<1x80xi32, #tpu.memory_space<vmem>> -> memref<80xi32, #tpu.memory_space<vmem>>
        %dma_wait3A_363 = arith.constant 0 : i32
        %dma_wait3A_364 = arith.constant 0 : i32
        %dma_wait3A_365 = tpu.memref_slice %arg25[%dma_wait3A_363, %dma_wait3A_364] : memref<2048x128xf32, #tpu.memory_space<vmem_shared>> -> memref<2048x128xf32, #tpu.memory_space<vmem_shared>>
        tpu.wait_indirect_dma semaphore(%run_scoped3A_345 : memref<!tpu.dma_semaphore, #tpu.memory_space<semaphore_mem>>) src(%dma_wait3A_359 : memref<80x128xf32, #tpu.memory_space<vmem>>) dst(%dma_wait3A_365 : memref<2048x128xf32, #tpu.memory_space<vmem_shared>>)
        tpu.yield
      }) : () -> ()
      %run_scoped3A_343 = arith.constant 0 : i32
      "tpu.region"() ({
        %run_scoped3A_345 = tpu.sem_alloc : memref<!tpu.dma_semaphore, #tpu.memory_space<semaphore_mem>>
        %dma_start3A_346 = arith.constant 0 : i32
        %dma_start3A_347 = tpu.memref_slice %arg20[%run_scoped3A_343, %dma_start3A_346] : memref<1x80xi32, #tpu.memory_space<vmem>> -> memref<1x80xi32, #tpu.memory_space<vmem>>
        %dma_start3A_348 = tpu.memref_squeeze %dma_start3A_347 : memref<1x80xi32, #tpu.memory_space<vmem>> -> memref<80xi32, #tpu.memory_space<vmem>>
        %dma_start3A_349 = arith.constant 0 : i32
        %dma_start3A_350 = tpu.memref_slice %arg26[%dma_start3A_349] : memref<2048xf32, #tpu.memory_space<vmem_shared>> -> memref<2048xf32, #tpu.memory_space<vmem_shared>>
        tpu.enqueue_indirect_dma source(%arg22 : memref<80xf32, #tpu.memory_space<vmem>>) target(%dma_start3A_350 : memref<2048xf32, #tpu.memory_space<vmem_shared>>) offsets(%dma_start3A_348 : memref<80xi32, #tpu.memory_space<vmem>>) semaphore(%run_scoped3A_345 : memref<!tpu.dma_semaphore, #tpu.memory_space<semaphore_mem>>) {add = true}
        %dma_wait3A_351 = arith.constant 0 : i32
        %dma_wait3A_352 = tpu.memref_slice %arg20[%run_scoped3A_343, %dma_wait3A_351] : memref<1x80xi32, #tpu.memory_space<vmem>> -> memref<1x80xi32, #tpu.memory_space<vmem>>
        %dma_wait3A_353 = tpu.memref_squeeze %dma_wait3A_352 : memref<1x80xi32, #tpu.memory_space<vmem>> -> memref<80xi32, #tpu.memory_space<vmem>>
        %dma_wait3A_354 = arith.constant 0 : i32
        %dma_wait3A_355 = tpu.memref_slice %arg26[%dma_wait3A_354] : memref<2048xf32, #tpu.memory_space<vmem_shared>> -> memref<2048xf32, #tpu.memory_space<vmem_shared>>
        tpu.wait_indirect_dma semaphore(%run_scoped3A_345 : memref<!tpu.dma_semaphore, #tpu.memory_space<semaphore_mem>>) src(%arg22 : memref<80xf32, #tpu.memory_space<vmem>>) dst(%dma_wait3A_355 : memref<2048xf32, #tpu.memory_space<vmem_shared>>)
        tpu.yield
      }) : () -> ()
      %while3A_344 = arith.constant 0 : i32
      scf.yield %while3A_344 : i32
    }
    %while3A_144 = arith.constant 1 : i32
    %while3A_145 = scf.for %while3A_153 = %while3A_141 to %while3A_137 step %while3A_144 iter_args(%while3A_154 = %while3A_143) -> (i32)  : i32 {
      %mul3A_155 = arith.constant 80 : i32
      %mul3A_156 = arith.muli %while3A_153, %mul3A_155 : i32
      %add3A_157 = arith.constant 0 : i32
      %add3A_158 = arith.addi %mul3A_156, %add3A_157 : i32
      %get3A_159 = arith.index_cast %add3A_158 : i32 to index
      %get3A_160 = tpu.vector_load %arg13[%get3A_159] {strides = array<i32>} : memref<10096xi32, #tpu.memory_space<vmem>>, vector<16xi32>,
      %add3A_161 = arith.constant 0 : i32
      %add3A_162 = arith.addi %mul3A_156, %add3A_161 : i32
      %get3A_163 = arith.index_cast %add3A_162 : i32 to index
      %get3A_164 = tpu.vector_load %arg14[%get3A_163] {strides = array<i32>} : memref<10096xi32, #tpu.memory_space<vmem>>, vector<16xi32>,
      %swap3A_165 = arith.constant 0 : i32
      %swap3A_166 = arith.index_cast %swap3A_165 : i32 to index
      %swap3A_167 = arith.constant 0 : index
      %swap3A_168 = tpu.vector_load %arg19[%swap3A_166, %swap3A_167] {strides = array<i32>} : memref<1x80xi32, #tpu.memory_space<vmem>>, vector<16xi32>,
      tpu.vector_store %arg19[%swap3A_166, %swap3A_167], %get3A_160 {strides = array<i32>} : memref<1x80xi32, #tpu.memory_space<vmem>>, vector<16xi32>,
      %swap3A_169 = arith.constant 0 : i32
      %swap3A_170 = arith.index_cast %swap3A_169 : i32 to index
      %swap3A_171 = arith.constant 0 : index
      %swap3A_172 = tpu.vector_load %arg20[%swap3A_170, %swap3A_171] {strides = array<i32>} : memref<1x80xi32, #tpu.memory_space<vmem>>, vector<16xi32>,
      tpu.vector_store %arg20[%swap3A_170, %swap3A_171], %get3A_164 {strides = array<i32>} : memref<1x80xi32, #tpu.memory_space<vmem>>, vector<16xi32>,
      %add3A_173 = arith.constant 16 : i32
      %add3A_174 = arith.addi %mul3A_156, %add3A_173 : i32
      %get3A_175 = arith.index_cast %add3A_174 : i32 to index
      %get3A_176 = tpu.vector_load %arg13[%get3A_175] {strides = array<i32>} : memref<10096xi32, #tpu.memory_space<vmem>>, vector<16xi32>,
      %add3A_177 = arith.constant 16 : i32
      %add3A_178 = arith.addi %mul3A_156, %add3A_177 : i32
      %get3A_179 = arith.index_cast %add3A_178 : i32 to index
      %get3A_180 = tpu.vector_load %arg14[%get3A_179] {strides = array<i32>} : memref<10096xi32, #tpu.memory_space<vmem>>, vector<16xi32>,
      %swap3A_181 = arith.constant 0 : i32
      %swap3A_182 = arith.index_cast %swap3A_181 : i32 to index
      %swap3A_183 = arith.constant 16 : index
      %swap3A_184 = tpu.vector_load %arg19[%swap3A_182, %swap3A_183] {strides = array<i32>} : memref<1x80xi32, #tpu.memory_space<vmem>>, vector<16xi32>,
      tpu.vector_store %arg19[%swap3A_182, %swap3A_183], %get3A_176 {strides = array<i32>} : memref<1x80xi32, #tpu.memory_space<vmem>>, vector<16xi32>,
      %swap3A_185 = arith.constant 0 : i32
      %swap3A_186 = arith.index_cast %swap3A_185 : i32 to index
      %swap3A_187 = arith.constant 16 : index
      %swap3A_188 = tpu.vector_load %arg20[%swap3A_186, %swap3A_187] {strides = array<i32>} : memref<1x80xi32, #tpu.memory_space<vmem>>, vector<16xi32>,
      tpu.vector_store %arg20[%swap3A_186, %swap3A_187], %get3A_180 {strides = array<i32>} : memref<1x80xi32, #tpu.memory_space<vmem>>, vector<16xi32>,
      %add3A_189 = arith.constant 32 : i32
      %add3A_190 = arith.addi %mul3A_156, %add3A_189 : i32
      %get3A_191 = arith.index_cast %add3A_190 : i32 to index
      %get3A_192 = tpu.vector_load %arg13[%get3A_191] {strides = array<i32>} : memref<10096xi32, #tpu.memory_space<vmem>>, vector<16xi32>,
      %add3A_193 = arith.constant 32 : i32
      %add3A_194 = arith.addi %mul3A_156, %add3A_193 : i32
      %get3A_195 = arith.index_cast %add3A_194 : i32 to index
      %get3A_196 = tpu.vector_load %arg14[%get3A_195] {strides = array<i32>} : memref<10096xi32, #tpu.memory_space<vmem>>, vector<16xi32>,
      %swap3A_197 = arith.constant 0 : i32
      %swap3A_198 = arith.index_cast %swap3A_197 : i32 to index
      %swap3A_199 = arith.constant 32 : index
      %swap3A_200 = tpu.vector_load %arg19[%swap3A_198, %swap3A_199] {strides = array<i32>} : memref<1x80xi32, #tpu.memory_space<vmem>>, vector<16xi32>,
      tpu.vector_store %arg19[%swap3A_198, %swap3A_199], %get3A_192 {strides = array<i32>} : memref<1x80xi32, #tpu.memory_space<vmem>>, vector<16xi32>,
      %swap3A_201 = arith.constant 0 : i32
      %swap3A_202 = arith.index_cast %swap3A_201 : i32 to index
      %swap3A_203 = arith.constant 32 : index
      %swap3A_204 = tpu.vector_load %arg20[%swap3A_202, %swap3A_203] {strides = array<i32>} : memref<1x80xi32, #tpu.memory_space<vmem>>, vector<16xi32>,
      tpu.vector_store %arg20[%swap3A_202, %swap3A_203], %get3A_196 {strides = array<i32>} : memref<1x80xi32, #tpu.memory_space<vmem>>, vector<16xi32>,
      %add3A_205 = arith.constant 48 : i32
      %add3A_206 = arith.addi %mul3A_156, %add3A_205 : i32
      %get3A_207 = arith.index_cast %add3A_206 : i32 to index
      %get3A_208 = tpu.vector_load %arg13[%get3A_207] {strides = array<i32>} : memref<10096xi32, #tpu.memory_space<vmem>>, vector<16xi32>,
      %add3A_209 = arith.constant 48 : i32
      %add3A_210 = arith.addi %mul3A_156, %add3A_209 : i32
      %get3A_211 = arith.index_cast %add3A_210 : i32 to index
      %get3A_212 = tpu.vector_load %arg14[%get3A_211] {strides = array<i32>} : memref<10096xi32, #tpu.memory_space<vmem>>, vector<16xi32>,
      %swap3A_213 = arith.constant 0 : i32
      %swap3A_214 = arith.index_cast %swap3A_213 : i32 to index
      %swap3A_215 = arith.constant 48 : index
      %swap3A_216 = tpu.vector_load %arg19[%swap3A_214, %swap3A_215] {strides = array<i32>} : memref<1x80xi32, #tpu.memory_space<vmem>>, vector<16xi32>,
      tpu.vector_store %arg19[%swap3A_214, %swap3A_215], %get3A_208 {strides = array<i32>} : memref<1x80xi32, #tpu.memory_space<vmem>>, vector<16xi32>,
      %swap3A_217 = arith.constant 0 : i32
      %swap3A_218 = arith.index_cast %swap3A_217 : i32 to index
      %swap3A_219 = arith.constant 48 : index
      %swap3A_220 = tpu.vector_load %arg20[%swap3A_218, %swap3A_219] {strides = array<i32>} : memref<1x80xi32, #tpu.memory_space<vmem>>, vector<16xi32>,
      tpu.vector_store %arg20[%swap3A_218, %swap3A_219], %get3A_212 {strides = array<i32>} : memref<1x80xi32, #tpu.memory_space<vmem>>, vector<16xi32>,
      %add3A_221 = arith.constant 64 : i32
      %add3A_222 = arith.addi %mul3A_156, %add3A_221 : i32
      %get3A_223 = arith.index_cast %add3A_222 : i32 to index
      %get3A_224 = tpu.vector_load %arg13[%get3A_223] {strides = array<i32>} : memref<10096xi32, #tpu.memory_space<vmem>>, vector<16xi32>,
      %add3A_225 = arith.constant 64 : i32
      %add3A_226 = arith.addi %mul3A_156, %add3A_225 : i32
      %get3A_227 = arith.index_cast %add3A_226 : i32 to index
      %get3A_228 = tpu.vector_load %arg14[%get3A_227] {strides = array<i32>} : memref<10096xi32, #tpu.memory_space<vmem>>, vector<16xi32>,
      %swap3A_229 = arith.constant 0 : i32
      %swap3A_230 = arith.index_cast %swap3A_229 : i32 to index
      %swap3A_231 = arith.constant 64 : index
      %swap3A_232 = tpu.vector_load %arg19[%swap3A_230, %swap3A_231] {strides = array<i32>} : memref<1x80xi32, #tpu.memory_space<vmem>>, vector<16xi32>,
      tpu.vector_store %arg19[%swap3A_230, %swap3A_231], %get3A_224 {strides = array<i32>} : memref<1x80xi32, #tpu.memory_space<vmem>>, vector<16xi32>,
      %swap3A_233 = arith.constant 0 : i32
      %swap3A_234 = arith.index_cast %swap3A_233 : i32 to index
      %swap3A_235 = arith.constant 64 : index
      %swap3A_236 = tpu.vector_load %arg20[%swap3A_234, %swap3A_235] {strides = array<i32>} : memref<1x80xi32, #tpu.memory_space<vmem>>, vector<16xi32>,
      tpu.vector_store %arg20[%swap3A_234, %swap3A_235], %get3A_228 {strides = array<i32>} : memref<1x80xi32, #tpu.memory_space<vmem>>, vector<16xi32>,
      %dma_start3A = arith.constant 0 : i32
      %dma_start3A_237 = arith.constant 0 : i32
      %dma_start3A_238 = arith.constant 0 : i32
      %dma_start3A_239 = arith.constant 0 : i32
      %dma_start3A_240 = tpu.memref_slice %arg16[%dma_start3A_237, %dma_start3A_238, %dma_start3A_239] : memref<1x80x128xf32, #tpu.memory_space<vmem>> -> memref<1x80x128xf32, #tpu.memory_space<vmem>>
      %dma_start3A_241 = tpu.memref_squeeze %dma_start3A_240 : memref<1x80x128xf32, #tpu.memory_space<vmem>> -> memref<80x128xf32, #tpu.memory_space<vmem>>
      %dma_start3A_242 = arith.constant 0 : i32
      %dma_start3A_243 = tpu.memref_slice %arg19[%dma_start3A, %dma_start3A_242] : memref<1x80xi32, #tpu.memory_space<vmem>> -> memref<1x80xi32, #tpu.memory_space<vmem>>
      %dma_start3A_244 = tpu.memref_squeeze %dma_start3A_243 : memref<1x80xi32, #tpu.memory_space<vmem>> -> memref<80xi32, #tpu.memory_space<vmem>>
      %dma_start3A_245 = arith.constant 0 : i32
      %dma_start3A_246 = arith.constant 0 : i32
      %dma_start3A_247 = tpu.memref_slice %arg2[%dma_start3A_245, %dma_start3A_246] : memref<10000x128xf32, #tpu.memory_space<hbm>> -> memref<10000x128xf32, #tpu.memory_space<hbm>>
      tpu.enqueue_indirect_dma source(%dma_start3A_247 : memref<10000x128xf32, #tpu.memory_space<hbm>>) target(%dma_start3A_241 : memref<80x128xf32, #tpu.memory_space<vmem>>) offsets(%dma_start3A_244 : memref<80xi32, #tpu.memory_space<vmem>>) semaphore(%arg27 : memref<!tpu.dma_semaphore, #tpu.memory_space<semaphore_mem>>)
      %dma_wait3A = arith.constant 0 : i32
      %dma_wait3A_248 = arith.constant 0 : i32
      %dma_wait3A_249 = arith.constant 0 : i32
      %dma_wait3A_250 = arith.constant 0 : i32
      %dma_wait3A_251 = tpu.memref_slice %arg16[%dma_wait3A_248, %dma_wait3A_249, %dma_wait3A_250] : memref<1x80x128xf32, #tpu.memory_space<vmem>> -> memref<1x80x128xf32, #tpu.memory_space<vmem>>
      %dma_wait3A_252 = tpu.memref_squeeze %dma_wait3A_251 : memref<1x80x128xf32, #tpu.memory_space<vmem>> -> memref<80x128xf32, #tpu.memory_space<vmem>>
      %dma_wait3A_253 = arith.constant 0 : i32
      %dma_wait3A_254 = tpu.memref_slice %arg19[%dma_wait3A, %dma_wait3A_253] : memref<1x80xi32, #tpu.memory_space<vmem>> -> memref<1x80xi32, #tpu.memory_space<vmem>>
      %dma_wait3A_255 = tpu.memref_squeeze %dma_wait3A_254 : memref<1x80xi32, #tpu.memory_space<vmem>> -> memref<80xi32, #tpu.memory_space<vmem>>
      %dma_wait3A_256 = arith.constant 0 : i32
      %dma_wait3A_257 = arith.constant 0 : i32
      %dma_wait3A_258 = tpu.memref_slice %arg2[%dma_wait3A_256, %dma_wait3A_257] : memref<10000x128xf32, #tpu.memory_space<hbm>> -> memref<10000x128xf32, #tpu.memory_space<hbm>>
      tpu.wait_indirect_dma semaphore(%arg27 : memref<!tpu.dma_semaphore, #tpu.memory_space<semaphore_mem>>) src(%dma_wait3A_258 : memref<10000x128xf32, #tpu.memory_space<hbm>>) dst(%dma_wait3A_252 : memref<80x128xf32, #tpu.memory_space<vmem>>)
      %gather3A = tpu.vector_load_idx %arg15[%get3A_160] : memref<10016xi32, #tpu.memory_space<vmem>>[vector<16xi32>], vector<16xi32>,
      %ge3A = arith.constant 0 : i32
      %ge3A_259 = vector.broadcast %ge3A : i32 to vector<16xi32>
      %ge3A_260 = arith.cmpi sge, %gather3A, %ge3A_259 : vector<16xi32>
      %add3A_261 = arith.constant 0 : i32
      %add3A_262 = vector.broadcast %add3A_261 : i32 to vector<16xi32>
      %add3A_263 = arith.addi %iota3A, %add3A_262 : vector<16xi32>
      %scatter3A = arith.constant 0 : i32
      %scatter3A_264 = arith.constant 0 : i32
      %scatter3A_265 = arith.constant 0 : i32
      %scatter3A_266 = tpu.memref_slice %arg16[%scatter3A, %scatter3A_264, %scatter3A_265] : memref<1x80x128xf32, #tpu.memory_space<vmem>> -> memref<1x80x128xf32, #tpu.memory_space<vmem>>
      %scatter3A_267 = tpu.memref_squeeze %scatter3A_266 : memref<1x80x128xf32, #tpu.memory_space<vmem>> -> memref<80x128xf32, #tpu.memory_space<vmem>>
      tpu.vector_store_idx %scatter3A_267[%add3A_263, %broadcast_in_dim3A_6], %get3A_61 masked %ge3A_260 : memref<80x128xf32, #tpu.memory_space<vmem>>[vector<16xi32>, vector<16xi32>], vector<16xf32>, vector<16xi1>
      %scatter3A_268 = arith.constant 0 : i32
      %scatter3A_269 = arith.constant 0 : i32
      %scatter3A_270 = arith.constant 0 : i32
      %scatter3A_271 = tpu.memref_slice %arg16[%scatter3A_268, %scatter3A_269, %scatter3A_270] : memref<1x80x128xf32, #tpu.memory_space<vmem>> -> memref<1x80x128xf32, #tpu.memory_space<vmem>>
      %scatter3A_272 = tpu.memref_squeeze %scatter3A_271 : memref<1x80x128xf32, #tpu.memory_space<vmem>> -> memref<80x128xf32, #tpu.memory_space<vmem>>
      tpu.vector_store_idx %scatter3A_272[%add3A_263, %broadcast_in_dim3A_8], %get3A_65 masked %ge3A_260 : memref<80x128xf32, #tpu.memory_space<vmem>>[vector<16xi32>, vector<16xi32>], vector<16xf32>, vector<16xi1>
      %gather3A_273 = tpu.vector_load_idx %arg15[%get3A_176] : memref<10016xi32, #tpu.memory_space<vmem>>[vector<16xi32>], vector<16xi32>,
      %ge3A_274 = arith.constant 0 : i32
      %ge3A_275 = vector.broadcast %ge3A_274 : i32 to vector<16xi32>
      %ge3A_276 = arith.cmpi sge, %gather3A_273, %ge3A_275 : vector<16xi32>
      %add3A_277 = arith.constant 16 : i32
      %add3A_278 = vector.broadcast %add3A_277 : i32 to vector<16xi32>
      %add3A_279 = arith.addi %iota3A, %add3A_278 : vector<16xi32>
      %scatter3A_280 = arith.constant 0 : i32
      %scatter3A_281 = arith.constant 0 : i32
      %scatter3A_282 = arith.constant 0 : i32
      %scatter3A_283 = tpu.memref_slice %arg16[%scatter3A_280, %scatter3A_281, %scatter3A_282] : memref<1x80x128xf32, #tpu.memory_space<vmem>> -> memref<1x80x128xf32, #tpu.memory_space<vmem>>
      %scatter3A_284 = tpu.memref_squeeze %scatter3A_283 : memref<1x80x128xf32, #tpu.memory_space<vmem>> -> memref<80x128xf32, #tpu.memory_space<vmem>>
      tpu.vector_store_idx %scatter3A_284[%add3A_279, %broadcast_in_dim3A_6], %get3A_61 masked %ge3A_276 : memref<80x128xf32, #tpu.memory_space<vmem>>[vector<16xi32>, vector<16xi32>], vector<16xf32>, vector<16xi1>
      %scatter3A_285 = arith.constant 0 : i32
      %scatter3A_286 = arith.constant 0 : i32
      %scatter3A_287 = arith.constant 0 : i32
      %scatter3A_288 = tpu.memref_slice %arg16[%scatter3A_285, %scatter3A_286, %scatter3A_287] : memref<1x80x128xf32, #tpu.memory_space<vmem>> -> memref<1x80x128xf32, #tpu.memory_space<vmem>>
      %scatter3A_289 = tpu.memref_squeeze %scatter3A_288 : memref<1x80x128xf32, #tpu.memory_space<vmem>> -> memref<80x128xf32, #tpu.memory_space<vmem>>
      tpu.vector_store_idx %scatter3A_289[%add3A_279, %broadcast_in_dim3A_8], %get3A_65 masked %ge3A_276 : memref<80x128xf32, #tpu.memory_space<vmem>>[vector<16xi32>, vector<16xi32>], vector<16xf32>, vector<16xi1>
      %gather3A_290 = tpu.vector_load_idx %arg15[%get3A_192] : memref<10016xi32, #tpu.memory_space<vmem>>[vector<16xi32>], vector<16xi32>,
      %ge3A_291 = arith.constant 0 : i32
      %ge3A_292 = vector.broadcast %ge3A_291 : i32 to vector<16xi32>
      %ge3A_293 = arith.cmpi sge, %gather3A_290, %ge3A_292 : vector<16xi32>
      %add3A_294 = arith.constant 32 : i32
      %add3A_295 = vector.broadcast %add3A_294 : i32 to vector<16xi32>
      %add3A_296 = arith.addi %iota3A, %add3A_295 : vector<16xi32>
      %scatter3A_297 = arith.constant 0 : i32
      %scatter3A_298 = arith.constant 0 : i32
      %scatter3A_299 = arith.constant 0 : i32
      %scatter3A_300 = tpu.memref_slice %arg16[%scatter3A_297, %scatter3A_298, %scatter3A_299] : memref<1x80x128xf32, #tpu.memory_space<vmem>> -> memref<1x80x128xf32, #tpu.memory_space<vmem>>
      %scatter3A_301 = tpu.memref_squeeze %scatter3A_300 : memref<1x80x128xf32, #tpu.memory_space<vmem>> -> memref<80x128xf32, #tpu.memory_space<vmem>>
      tpu.vector_store_idx %scatter3A_301[%add3A_296, %broadcast_in_dim3A_6], %get3A_61 masked %ge3A_293 : memref<80x128xf32, #tpu.memory_space<vmem>>[vector<16xi32>, vector<16xi32>], vector<16xf32>, vector<16xi1>
      %scatter3A_302 = arith.constant 0 : i32
      %scatter3A_303 = arith.constant 0 : i32
      %scatter3A_304 = arith.constant 0 : i32
      %scatter3A_305 = tpu.memref_slice %arg16[%scatter3A_302, %scatter3A_303, %scatter3A_304] : memref<1x80x128xf32, #tpu.memory_space<vmem>> -> memref<1x80x128xf32, #tpu.memory_space<vmem>>
      %scatter3A_306 = tpu.memref_squeeze %scatter3A_305 : memref<1x80x128xf32, #tpu.memory_space<vmem>> -> memref<80x128xf32, #tpu.memory_space<vmem>>
      tpu.vector_store_idx %scatter3A_306[%add3A_296, %broadcast_in_dim3A_8], %get3A_65 masked %ge3A_293 : memref<80x128xf32, #tpu.memory_space<vmem>>[vector<16xi32>, vector<16xi32>], vector<16xf32>, vector<16xi1>
      %gather3A_307 = tpu.vector_load_idx %arg15[%get3A_208] : memref<10016xi32, #tpu.memory_space<vmem>>[vector<16xi32>], vector<16xi32>,
      %ge3A_308 = arith.constant 0 : i32
      %ge3A_309 = vector.broadcast %ge3A_308 : i32 to vector<16xi32>
      %ge3A_310 = arith.cmpi sge, %gather3A_307, %ge3A_309 : vector<16xi32>
      %add3A_311 = arith.constant 48 : i32
      %add3A_312 = vector.broadcast %add3A_311 : i32 to vector<16xi32>
      %add3A_313 = arith.addi %iota3A, %add3A_312 : vector<16xi32>
      %scatter3A_314 = arith.constant 0 : i32
      %scatter3A_315 = arith.constant 0 : i32
      %scatter3A_316 = arith.constant 0 : i32
      %scatter3A_317 = tpu.memref_slice %arg16[%scatter3A_314, %scatter3A_315, %scatter3A_316] : memref<1x80x128xf32, #tpu.memory_space<vmem>> -> memref<1x80x128xf32, #tpu.memory_space<vmem>>
      %scatter3A_318 = tpu.memref_squeeze %scatter3A_317 : memref<1x80x128xf32, #tpu.memory_space<vmem>> -> memref<80x128xf32, #tpu.memory_space<vmem>>
      tpu.vector_store_idx %scatter3A_318[%add3A_313, %broadcast_in_dim3A_6], %get3A_61 masked %ge3A_310 : memref<80x128xf32, #tpu.memory_space<vmem>>[vector<16xi32>, vector<16xi32>], vector<16xf32>, vector<16xi1>
      %scatter3A_319 = arith.constant 0 : i32
      %scatter3A_320 = arith.constant 0 : i32
      %scatter3A_321 = arith.constant 0 : i32
      %scatter3A_322 = tpu.memref_slice %arg16[%scatter3A_319, %scatter3A_320, %scatter3A_321] : memref<1x80x128xf32, #tpu.memory_space<vmem>> -> memref<1x80x128xf32, #tpu.memory_space<vmem>>
      %scatter3A_323 = tpu.memref_squeeze %scatter3A_322 : memref<1x80x128xf32, #tpu.memory_space<vmem>> -> memref<80x128xf32, #tpu.memory_space<vmem>>
      tpu.vector_store_idx %scatter3A_323[%add3A_313, %broadcast_in_dim3A_8], %get3A_65 masked %ge3A_310 : memref<80x128xf32, #tpu.memory_space<vmem>>[vector<16xi32>, vector<16xi32>], vector<16xf32>, vector<16xi1>
      %gather3A_324 = tpu.vector_load_idx %arg15[%get3A_224] : memref<10016xi32, #tpu.memory_space<vmem>>[vector<16xi32>], vector<16xi32>,
      %ge3A_325 = arith.constant 0 : i32
      %ge3A_326 = vector.broadcast %ge3A_325 : i32 to vector<16xi32>
      %ge3A_327 = arith.cmpi sge, %gather3A_324, %ge3A_326 : vector<16xi32>
      %add3A_328 = arith.constant 64 : i32
      %add3A_329 = vector.broadcast %add3A_328 : i32 to vector<16xi32>
      %add3A_330 = arith.addi %iota3A, %add3A_329 : vector<16xi32>
      %scatter3A_331 = arith.constant 0 : i32
      %scatter3A_332 = arith.constant 0 : i32
      %scatter3A_333 = arith.constant 0 : i32
      %scatter3A_334 = tpu.memref_slice %arg16[%scatter3A_331, %scatter3A_332, %scatter3A_333] : memref<1x80x128xf32, #tpu.memory_space<vmem>> -> memref<1x80x128xf32, #tpu.memory_space<vmem>>
      %scatter3A_335 = tpu.memref_squeeze %scatter3A_334 : memref<1x80x128xf32, #tpu.memory_space<vmem>> -> memref<80x128xf32, #tpu.memory_space<vmem>>
      tpu.vector_store_idx %scatter3A_335[%add3A_330, %broadcast_in_dim3A_6], %get3A_61 masked %ge3A_327 : memref<80x128xf32, #tpu.memory_space<vmem>>[vector<16xi32>, vector<16xi32>], vector<16xf32>, vector<16xi1>
      %scatter3A_336 = arith.constant 0 : i32
      %scatter3A_337 = arith.constant 0 : i32
      %scatter3A_338 = arith.constant 0 : i32
      %scatter3A_339 = tpu.memref_slice %arg16[%scatter3A_336, %scatter3A_337, %scatter3A_338] : memref<1x80x128xf32, #tpu.memory_space<vmem>> -> memref<1x80x128xf32, #tpu.memory_space<vmem>>
      %scatter3A_340 = tpu.memref_squeeze %scatter3A_339 : memref<1x80x128xf32, #tpu.memory_space<vmem>> -> memref<80x128xf32, #tpu.memory_space<vmem>>
      tpu.vector_store_idx %scatter3A_340[%add3A_330, %broadcast_in_dim3A_8], %get3A_65 masked %ge3A_327 : memref<80x128xf32, #tpu.memory_space<vmem>>[vector<16xi32>, vector<16xi32>], vector<16xf32>, vector<16xi1>
      %run_scoped3A_341 = arith.constant 0 : i32
      %run_scoped3A_342 = arith.constant 0 : i32
      "tpu.region"() ({
        %run_scoped3A_345 = tpu.sem_alloc : memref<!tpu.dma_semaphore, #tpu.memory_space<semaphore_mem>>
        %dma_start3A_346 = arith.constant 0 : i32
        %dma_start3A_347 = arith.constant 0 : i32
        %dma_start3A_348 = tpu.memref_slice %arg16[%run_scoped3A_341, %dma_start3A_346, %dma_start3A_347] : memref<1x80x128xf32, #tpu.memory_space<vmem>> -> memref<1x80x128xf32, #tpu.memory_space<vmem>>
        %dma_start3A_349 = tpu.memref_squeeze %dma_start3A_348 : memref<1x80x128xf32, #tpu.memory_space<vmem>> -> memref<80x128xf32, #tpu.memory_space<vmem>>
        %dma_start3A_350 = arith.constant 0 : i32
        %dma_start3A_351 = tpu.memref_slice %arg20[%run_scoped3A_342, %dma_start3A_350] : memref<1x80xi32, #tpu.memory_space<vmem>> -> memref<1x80xi32, #tpu.memory_space<vmem>>
        %dma_start3A_352 = tpu.memref_squeeze %dma_start3A_351 : memref<1x80xi32, #tpu.memory_space<vmem>> -> memref<80xi32, #tpu.memory_space<vmem>>
        %dma_start3A_353 = arith.constant 0 : i32
        %dma_start3A_354 = arith.constant 0 : i32
        %dma_start3A_355 = tpu.memref_slice %arg25[%dma_start3A_353, %dma_start3A_354] : memref<2048x128xf32, #tpu.memory_space<vmem_shared>> -> memref<2048x128xf32, #tpu.memory_space<vmem_shared>>
        tpu.enqueue_indirect_dma source(%dma_start3A_349 : memref<80x128xf32, #tpu.memory_space<vmem>>) target(%dma_start3A_355 : memref<2048x128xf32, #tpu.memory_space<vmem_shared>>) offsets(%dma_start3A_352 : memref<80xi32, #tpu.memory_space<vmem>>) semaphore(%run_scoped3A_345 : memref<!tpu.dma_semaphore, #tpu.memory_space<semaphore_mem>>) {add = true}
        %dma_wait3A_356 = arith.constant 0 : i32
        %dma_wait3A_357 = arith.constant 0 : i32
        %dma_wait3A_358 = tpu.memref_slice %arg16[%run_scoped3A_341, %dma_wait3A_356, %dma_wait3A_357] : memref<1x80x128xf32, #tpu.memory_space<vmem>> -> memref<1x80x128xf32, #tpu.memory_space<vmem>>
        %dma_wait3A_359 = tpu.memref_squeeze %dma_wait3A_358 : memref<1x80x128xf32, #tpu.memory_space<vmem>> -> memref<80x128xf32, #tpu.memory_space<vmem>>
        %dma_wait3A_360 = arith.constant 0 : i32
        %dma_wait3A_361 = tpu.memref_slice %arg20[%run_scoped3A_342, %dma_wait3A_360] : memref<1x80xi32, #tpu.memory_space<vmem>> -> memref<1x80xi32, #tpu.memory_space<vmem>>
        %dma_wait3A_362 = tpu.memref_squeeze %dma_wait3A_361 : memref<1x80xi32, #tpu.memory_space<vmem>> -> memref<80xi32, #tpu.memory_space<vmem>>
        %dma_wait3A_363 = arith.constant 0 : i32
        %dma_wait3A_364 = arith.constant 0 : i32
        %dma_wait3A_365 = tpu.memref_slice %arg25[%dma_wait3A_363, %dma_wait3A_364] : memref<2048x128xf32, #tpu.memory_space<vmem_shared>> -> memref<2048x128xf32, #tpu.memory_space<vmem_shared>>
        tpu.wait_indirect_dma semaphore(%run_scoped3A_345 : memref<!tpu.dma_semaphore, #tpu.memory_space<semaphore_mem>>) src(%dma_wait3A_359 : memref<80x128xf32, #tpu.memory_space<vmem>>) dst(%dma_wait3A_365 : memref<2048x128xf32, #tpu.memory_space<vmem_shared>>)
        tpu.yield
      }) : () -> ()
      %run_scoped3A_343 = arith.constant 0 : i32
      "tpu.region"() ({
        %run_scoped3A_345 = tpu.sem_alloc : memref<!tpu.dma_semaphore, #tpu.memory_space<semaphore_mem>>
        %dma_start3A_346 = arith.constant 0 : i32
        %dma_start3A_347 = tpu.memref_slice %arg20[%run_scoped3A_343, %dma_start3A_346] : memref<1x80xi32, #tpu.memory_space<vmem>> -> memref<1x80xi32, #tpu.memory_space<vmem>>
        %dma_start3A_348 = tpu.memref_squeeze %dma_start3A_347 : memref<1x80xi32, #tpu.memory_space<vmem>> -> memref<80xi32, #tpu.memory_space<vmem>>
        %dma_start3A_349 = arith.constant 0 : i32
        %dma_start3A_350 = tpu.memref_slice %arg26[%dma_start3A_349] : memref<2048xf32, #tpu.memory_space<vmem_shared>> -> memref<2048xf32, #tpu.memory_space<vmem_shared>>
        tpu.enqueue_indirect_dma source(%arg22 : memref<80xf32, #tpu.memory_space<vmem>>) target(%dma_start3A_350 : memref<2048xf32, #tpu.memory_space<vmem_shared>>) offsets(%dma_start3A_348 : memref<80xi32, #tpu.memory_space<vmem>>) semaphore(%run_scoped3A_345 : memref<!tpu.dma_semaphore, #tpu.memory_space<semaphore_mem>>) {add = true}
        %dma_wait3A_351 = arith.constant 0 : i32
        %dma_wait3A_352 = tpu.memref_slice %arg20[%run_scoped3A_343, %dma_wait3A_351] : memref<1x80xi32, #tpu.memory_space<vmem>> -> memref<1x80xi32, #tpu.memory_space<vmem>>
        %dma_wait3A_353 = tpu.memref_squeeze %dma_wait3A_352 : memref<1x80xi32, #tpu.memory_space<vmem>> -> memref<80xi32, #tpu.memory_space<vmem>>
        %dma_wait3A_354 = arith.constant 0 : i32
        %dma_wait3A_355 = tpu.memref_slice %arg26[%dma_wait3A_354] : memref<2048xf32, #tpu.memory_space<vmem_shared>> -> memref<2048xf32, #tpu.memory_space<vmem_shared>>
        tpu.wait_indirect_dma semaphore(%run_scoped3A_345 : memref<!tpu.dma_semaphore, #tpu.memory_space<semaphore_mem>>) src(%arg22 : memref<80xf32, #tpu.memory_space<vmem>>) dst(%dma_wait3A_355 : memref<2048xf32, #tpu.memory_space<vmem_shared>>)
        tpu.yield
      }) : () -> ()
      %while3A_344 = arith.constant 0 : i32
      scf.yield %while3A_344 : i32
    }
    %barrier3A_146 = arith.constant 0 : index
    tpu.barrier barrier_id(%barrier3A_146)
    %mul3A_147 = arith.constant 128 : i32
    %mul3A_148 = arith.muli %arg1, %mul3A_147 : i32
    %mul3A_149 = arith.constant 128 : i32
    %mul3A_150 = arith.muli %arg1, %mul3A_149 : i32
    "tpu.region"() ({
      %run_scoped3A_153 = tpu.sem_alloc : memref<!tpu.dma_semaphore, #tpu.memory_space<semaphore_mem>>
      %dma_start3A = arith.constant 0 : i32
      %dma_start3A_154 = tpu.memref_slice %arg7[%arg0, %mul3A_150, %dma_start3A] : memref<2x2048x128xf32, #tpu.memory_space<hbm>> -> memref<1x128x128xf32, #tpu.memory_space<hbm>>
      %dma_start3A_155 = tpu.memref_squeeze %dma_start3A_154 : memref<1x128x128xf32, #tpu.memory_space<hbm>> -> memref<128x128xf32, #tpu.memory_space<hbm>>
      %dma_start3A_156 = arith.constant 0 : i32
      %dma_start3A_157 = tpu.memref_slice %arg25[%mul3A_148, %dma_start3A_156] : memref<2048x128xf32, #tpu.memory_space<vmem_shared>> -> memref<128x128xf32, #tpu.memory_space<vmem_shared>>
      tpu.enqueue_dma source(%dma_start3A_157 : memref<128x128xf32, #tpu.memory_space<vmem_shared>>) target(%dma_start3A_155 : memref<128x128xf32, #tpu.memory_space<hbm>>) target_semaphore(%run_scoped3A_153 : memref<!tpu.dma_semaphore, #tpu.memory_space<semaphore_mem>>)
      %dma_wait3A = arith.constant 0 : i32
      %dma_wait3A_158 = tpu.memref_slice %arg7[%arg0, %mul3A_150, %dma_wait3A] : memref<2x2048x128xf32, #tpu.memory_space<hbm>> -> memref<1x128x128xf32, #tpu.memory_space<hbm>>
      %dma_wait3A_159 = tpu.memref_squeeze %dma_wait3A_158 : memref<1x128x128xf32, #tpu.memory_space<hbm>> -> memref<128x128xf32, #tpu.memory_space<hbm>>
      %dma_wait3A_160 = arith.constant 0 : i32
      %dma_wait3A_161 = tpu.memref_slice %arg25[%mul3A_148, %dma_wait3A_160] : memref<2048x128xf32, #tpu.memory_space<vmem_shared>> -> memref<128x128xf32, #tpu.memory_space<vmem_shared>>
      tpu.wait_dma2 semaphore(%run_scoped3A_153 : memref<!tpu.dma_semaphore, #tpu.memory_space<semaphore_mem>>) src(%dma_wait3A_161 : memref<128x128xf32, #tpu.memory_space<vmem_shared>>) dst(%dma_wait3A_159 : memref<128x128xf32, #tpu.memory_space<hbm>>)
      tpu.yield
    }) : () -> ()
    %mul3A_151 = arith.constant 128 : i32
    %mul3A_152 = arith.muli %arg1, %mul3A_151 : i32
    "tpu.region"() ({
      %run_scoped3A_153 = tpu.sem_alloc : memref<!tpu.dma_semaphore, #tpu.memory_space<semaphore_mem>>
      %dma_start3A = arith.constant 0 : i32
      %dma_start3A_154 = tpu.memref_slice %arg8[%arg0, %arg1, %dma_start3A] : memref<2x16x128xf32, #tpu.memory_space<hbm>> -> memref<1x1x128xf32, #tpu.memory_space<hbm>>
      %dma_start3A_155 = tpu.memref_squeeze %dma_start3A_154 : memref<1x1x128xf32, #tpu.memory_space<hbm>> -> memref<128xf32, #tpu.memory_space<hbm>>
      %dma_start3A_156 = tpu.memref_slice %arg26[%mul3A_152] : memref<2048xf32, #tpu.memory_space<vmem_shared>> -> memref<128xf32, #tpu.memory_space<vmem_shared>>
      tpu.enqueue_dma source(%dma_start3A_156 : memref<128xf32, #tpu.memory_space<vmem_shared>>) target(%dma_start3A_155 : memref<128xf32, #tpu.memory_space<hbm>>) target_semaphore(%run_scoped3A_153 : memref<!tpu.dma_semaphore, #tpu.memory_space<semaphore_mem>>)
      %dma_wait3A = arith.constant 0 : i32
      %dma_wait3A_157 = tpu.memref_slice %arg8[%arg0, %arg1, %dma_wait3A] : memref<2x16x128xf32, #tpu.memory_space<hbm>> -> memref<1x1x128xf32, #tpu.memory_space<hbm>>
      %dma_wait3A_158 = tpu.memref_squeeze %dma_wait3A_157 : memref<1x1x128xf32, #tpu.memory_space<hbm>> -> memref<128xf32, #tpu.memory_space<hbm>>
      %dma_wait3A_159 = tpu.memref_slice %arg26[%mul3A_152] : memref<2048xf32, #tpu.memory_space<vmem_shared>> -> memref<128xf32, #tpu.memory_space<vmem_shared>>
      tpu.wait_dma2 semaphore(%run_scoped3A_153 : memref<!tpu.dma_semaphore, #tpu.memory_space<semaphore_mem>>) src(%dma_wait3A_159 : memref<128xf32, #tpu.memory_space<vmem_shared>>) dst(%dma_wait3A_158 : memref<128xf32, #tpu.memory_space<hbm>>)
      tpu.yield
    }) : () -> ()
    return
  }
}

module attributes {stable_mosaic.version = 14 : i64} {
  func.func @_tc_kernel_body(%arg0: memref<2x2048x128xf32, #tpu.memory_space<vmem>>, %arg1: memref<2048x2xf32, #tpu.memory_space<vmem>>, %arg2: memref<2048x1xf32, #tpu.memory_space<vmem>>, %arg3: memref<1520x128xf32, #tpu.memory_space<vmem>>, %arg4: memref<1x2xf32, #tpu.memory_space<vmem>>, %arg5: memref<128x128xf32, #tpu.memory_space<vmem>>, %arg6: memref<1x128xf32, #tpu.memory_space<vmem>>, %arg7: memref<128x128xf32, #tpu.memory_space<vmem>>, %arg8: memref<1x128xf32, #tpu.memory_space<vmem>>, %arg9: memref<128x2xf32, #tpu.memory_space<vmem>>, %arg10: memref<1x2xf32, #tpu.memory_space<vmem>>, %arg11: memref<1x1xf32, #tpu.memory_space<vmem>>) attributes {dimension_semantics = [], scalar_prefetch = 0 : i64, scratch_operands = 0 : i64, tpu.core_type = #tpu.core_type<tc>} {
    %get3A = arith.constant 0 : index
    %get3A_0 = arith.constant 0 : index
    %get3A_1 = arith.constant 0 : index
    %get3A_2 = vector.load %arg0[%get3A, %get3A_0, %get3A_1] : memref<2x2048x128xf32, #tpu.memory_space<vmem>>, vector<1x1504x128xf32>
    %get3A_3 = vector.shape_cast %get3A_2 : vector<1x1504x128xf32> to vector<1504x128xf32>
    %get3A_4 = arith.constant 1 : index
    %get3A_5 = arith.constant 0 : index
    %get3A_6 = arith.constant 0 : index
    %get3A_7 = vector.load %arg0[%get3A_4, %get3A_5, %get3A_6] : memref<2x2048x128xf32, #tpu.memory_space<vmem>>, vector<1x1504x128xf32>
    %get3A_8 = vector.shape_cast %get3A_7 : vector<1x1504x128xf32> to vector<1504x128xf32>
    %add3A = arith.addf %get3A_3, %get3A_8 : vector<1504x128xf32>
    %get3A_9 = arith.constant 0 : index
    %get3A_10 = arith.constant 0 : index
    %get3A_11 = vector.load %arg1[%get3A_9, %get3A_10] : memref<2048x2xf32, #tpu.memory_space<vmem>>, vector<2048x2xf32>
    %slice3A = vector.extract_strided_slice %get3A_11 {offsets = [0, 0], sizes = [1504, 1], strides = [1, 1]} : vector<2048x2xf32> to vector<1504x1xf32>
    %slice3A_12 = vector.extract_strided_slice %get3A_11 {offsets = [0, 1], sizes = [1504, 1], strides = [1, 1]} : vector<2048x2xf32> to vector<1504x1xf32>
    %add3A_13 = arith.addf %slice3A, %slice3A_12 : vector<1504x1xf32>
    %max3A = arith.constant 1.000000e+00 : f32
    %max3A_14 = vector.broadcast %max3A : f32 to vector<1504x1xf32>
    %max3A_15 = arith.maximumf %add3A_13, %max3A_14 : vector<1504x1xf32>
    %div3A = vector.broadcast %max3A_15 : vector<1504x1xf32> to vector<1504x128xf32>
    %div3A_16 = arith.divf %add3A, %div3A : vector<1504x128xf32>
    %get3A_17 = arith.constant 0 : index
    %get3A_18 = arith.constant 0 : index
    %get3A_19 = vector.load %arg3[%get3A_17, %get3A_18] : memref<1520x128xf32, #tpu.memory_space<vmem>>, vector<1520x128xf32>
    %slice3A_20 = vector.extract_strided_slice %get3A_19 {offsets = [0, 0], sizes = [1504, 128], strides = [1, 1]} : vector<1520x128xf32> to vector<1504x128xf32>
    %get3A_21 = arith.constant 0 : index
    %get3A_22 = arith.constant 0 : index
    %get3A_23 = vector.load %arg4[%get3A_21, %get3A_22] : memref<1x2xf32, #tpu.memory_space<vmem>>, vector<1x2xf32>
    %broadcast_in_dim3A = vector.shape_cast %get3A_23 : vector<1x2xf32> to vector<1x2xf32>
    %broadcast_in_dim3A_24 = vector.broadcast %broadcast_in_dim3A : vector<1x2xf32> to vector<1504x2xf32>
    %slice3A_25 = vector.extract_strided_slice %slice3A_20 {offsets = [0, 2], sizes = [1504, 126], strides = [1, 1]} : vector<1504x128xf32> to vector<1504x126xf32>
    %concatenate3A = tpu.concatenate %broadcast_in_dim3A_24, %slice3A_25 in 1 : vector<1504x2xf32>, vector<1504x126xf32> -> vector<1504x128xf32>
    %add3A_26 = arith.addf %div3A_16, %concatenate3A : vector<1504x128xf32>
    %get3A_27 = arith.constant 0 : index
    %get3A_28 = arith.constant 0 : index
    %get3A_29 = vector.load %arg5[%get3A_27, %get3A_28] : memref<128x128xf32, #tpu.memory_space<vmem>>, vector<128x128xf32>
    %dot_general3A = arith.constant dense<0.000000e+00> : vector<1504x128xf32>
    %dot_general3A_30 = tpu.matmul %add3A_26, %get3A_29, %dot_general3A {dimension_numbers = #tpu.dot_dimension_numbers<[1], [0], [0], [1], [0, 0, 1, 1], [], []>, precision = #tpu.contract_precision<fp32>, transpose_lhs_hint = false} : vector<1504x128xf32>, vector<128x128xf32>, vector<1504x128xf32> -> vector<1504x128xf32>
    %get3A_31 = arith.constant 0 : index
    %get3A_32 = arith.constant 0 : index
    %get3A_33 = vector.load %arg6[%get3A_31, %get3A_32] : memref<1x128xf32, #tpu.memory_space<vmem>>, vector<1x128xf32>
    %add3A_34 = vector.broadcast %get3A_33 : vector<1x128xf32> to vector<1504x128xf32>
    %add3A_35 = arith.addf %dot_general3A_30, %add3A_34 : vector<1504x128xf32>
    %max3A_36 = arith.constant 0.000000e+00 : f32
    %max3A_37 = vector.broadcast %max3A_36 : f32 to vector<1504x128xf32>
    %max3A_38 = arith.maximumf %add3A_35, %max3A_37 : vector<1504x128xf32>
    %get3A_39 = arith.constant 0 : index
    %get3A_40 = arith.constant 0 : index
    %get3A_41 = vector.load %arg7[%get3A_39, %get3A_40] : memref<128x128xf32, #tpu.memory_space<vmem>>, vector<128x128xf32>
    %dot_general3A_42 = arith.constant dense<0.000000e+00> : vector<1504x128xf32>
    %dot_general3A_43 = tpu.matmul %max3A_38, %get3A_41, %dot_general3A_42 {dimension_numbers = #tpu.dot_dimension_numbers<[1], [0], [0], [1], [0, 0, 1, 1], [], []>, precision = #tpu.contract_precision<fp32>, transpose_lhs_hint = false} : vector<1504x128xf32>, vector<128x128xf32>, vector<1504x128xf32> -> vector<1504x128xf32>
    %get3A_44 = arith.constant 0 : index
    %get3A_45 = arith.constant 0 : index
    %get3A_46 = vector.load %arg8[%get3A_44, %get3A_45] : memref<1x128xf32, #tpu.memory_space<vmem>>, vector<1x128xf32>
    %add3A_47 = vector.broadcast %get3A_46 : vector<1x128xf32> to vector<1504x128xf32>
    %add3A_48 = arith.addf %dot_general3A_43, %add3A_47 : vector<1504x128xf32>
    %max3A_49 = arith.constant 0.000000e+00 : f32
    %max3A_50 = vector.broadcast %max3A_49 : f32 to vector<1504x128xf32>
    %max3A_51 = arith.maximumf %add3A_48, %max3A_50 : vector<1504x128xf32>
    %get3A_52 = arith.constant 0 : index
    %get3A_53 = arith.constant 0 : index
    %get3A_54 = vector.load %arg9[%get3A_52, %get3A_53] : memref<128x2xf32, #tpu.memory_space<vmem>>, vector<128x2xf32>
    %dot_general3A_55 = arith.constant dense<0.000000e+00> : vector<1504x2xf32>
    %dot_general3A_56 = tpu.matmul %max3A_51, %get3A_54, %dot_general3A_55 {dimension_numbers = #tpu.dot_dimension_numbers<[1], [0], [0], [1], [0, 0, 1, 1], [], []>, precision = #tpu.contract_precision<fp32>, transpose_lhs_hint = false} : vector<1504x128xf32>, vector<128x2xf32>, vector<1504x2xf32> -> vector<1504x2xf32>
    %get3A_57 = arith.constant 0 : index
    %get3A_58 = arith.constant 0 : index
    %get3A_59 = vector.load %arg10[%get3A_57, %get3A_58] : memref<1x2xf32, #tpu.memory_space<vmem>>, vector<1x2xf32>
    %add3A_60 = vector.broadcast %get3A_59 : vector<1x2xf32> to vector<1504x2xf32>
    %add3A_61 = arith.addf %dot_general3A_56, %add3A_60 : vector<1504x2xf32>
    %get3A_62 = arith.constant 0 : index
    %get3A_63 = arith.constant 0 : index
    %get3A_64 = vector.load %arg2[%get3A_62, %get3A_63] : memref<2048x1xf32, #tpu.memory_space<vmem>>, vector<2048x1xf32>
    %slice3A_65 = vector.extract_strided_slice %get3A_64 {offsets = [0, 0], sizes = [1504, 1], strides = [1, 1]} : vector<2048x1xf32> to vector<1504x1xf32>
    %slice3A_66 = vector.extract_strided_slice %slice3A_20 {offsets = [0, 0], sizes = [1504, 2], strides = [1, 1]} : vector<1504x128xf32> to vector<1504x2xf32>
    %sub3A = arith.subf %add3A_61, %slice3A_66 : vector<1504x2xf32>
    %abs3A = math.absf %sub3A : vector<1504x2xf32>
    %mul3A = vector.broadcast %slice3A_65 : vector<1504x1xf32> to vector<1504x2xf32>
    %mul3A_67 = arith.mulf %abs3A, %mul3A : vector<1504x2xf32>
    %reduce_sum3A = vector.shape_cast %mul3A_67 : vector<1504x2xf32> to vector<1x1504x2xf32>
    %reduce_sum3A_68 = arith.constant dense<0.000000e+00> : vector<1xf32>
    %reduce_sum3A_69 = vector.multi_reduction <add>, %reduce_sum3A, %reduce_sum3A_68 [1, 2] : vector<1x1504x2xf32> to vector<1xf32>
    %reduce_sum3A_70 = vector.shape_cast %reduce_sum3A_69 : vector<1xf32> to vector<1x1x1xf32>
    %reduce_sum3A_71 = vector.extract %reduce_sum3A_70[0, 0, 0] : f32 from vector<1x1x1xf32>
    %div3A_72 = arith.constant 3.000000e+03 : f32
    %div3A_73 = arith.divf %reduce_sum3A_71, %div3A_72 : f32
    %reshape3A = vector.broadcast %div3A_73 : f32 to vector<1x1xf32>
    %swap3A = arith.constant 0 : index
    %swap3A_74 = arith.constant 0 : index
    %swap3A_75 = vector.load %arg11[%swap3A, %swap3A_74] : memref<1x1xf32, #tpu.memory_space<vmem>>, vector<1x1xf32>
    tpu.vector_store %arg11[%swap3A, %swap3A_74], %reshape3A {strides = array<i32>} : memref<1x1xf32, #tpu.memory_space<vmem>>, vector<1x1xf32>,
    return
  }
}

</mosaic_0001>

<sc_bundles>
// kernel: kernel.4.cloned.1.call-start
scs
__scs_entry_jumppad:
0x0: {  	(pc) =	sbr.rel $0x88, $3  }
0x1: {  	(tag) =	ssettag $0x0;
	lr =	simm.s32 $0x1  }
0x2: {  	[smem:$0x3F97] =	sst lr;
	_ =	strace $0xD0000000  }
0x3: {  	_ = 	snop  }
0x4: {  	_ = 	snop  }
0x5: {  	_ = 	snop  }
0x6: {  	_ = 	snop  }
0x7: {  	_ = 	snop  }
__scs_overlays_trampoline_lowered:
0x8: {  	[smem:$0x3FA6] =	sst s0  }
0x9: {  	[smem:$0x3FA7] =	sst s1  }
0xa: {  	[smem:$0x3FA8] =	sst s2  }
0xb: {  	[smem:$0x3FA9] =	sst s3  }
0xc: {  	[smem:$0x3FAA] =	sst s4  }
0xd: {  	[smem:$0x3FAB] =	sst s5  }
0xe: {  	[smem:$0x3FAC] =	sst s6  }
0xf: {  	[smem:$0x3FAD] =	sst s7  }
0x10: {  	[smem:$0x3FAE] =	sst s8  }
0x11: {  	[smem:$0x3FAF] =	sst s9;
	s0 =	simm.s32 @!p0 $0x0  }
0x12: {  	s1 =	sld [smem:$0x3F95];
	s0 =	simm.s32 @p0 $0x1  }
0x13: {  	[smem:$0x3FB0] =	sst s0;
	s0 =	simm.s32 @!p1 $0x0  }
0x14: {  	s2 =	sld [smem:$0x3F94];
	s0 =	simm.s32 @p1 $0x1  }
0x15: {  	[smem:$0x3FB1] =	sst s0;
	s0 =	simm.s32 @!p2 $0x0  }
0x16: {  	s3 =	sld [smem:$0x3FDB];
	s0 =	simm.s32 @p2 $0x1  }
0x17: {  	s4 =	simm.s32 $0x1BF5;
	[smem:$0x3FB3] =	sst s0  }
0x18: {  	s0 =	sld [smem:$0x3F96];
	_ =	swait.ge [sflag:s4], $0x0  }
0x19: {  	s7 =	sld [smem:$0x3F97]  }
0x1a: {  	s8 =	sadd.s32 $0xFFFFE003, lr  }
0x1b: {  	s9 =	sadd.s32 $0xFFFFFEF7, lr;
	s5 =	simm.s32 $0xFFFFFFFF;
	p2 =	slt.u32 s8, $0xFFFFF086  }
0x1c: {  	p1 =	slt.u32 s9, $0xF7A;
	s5 =	simm.s32 @!p2 $0x0  }
0x1d: {  	s5 =	simm.s32 @p1 $0x1;
	p0 =	seq.s32 s7, s2  }
0x1e: {  	s7 =	smul.u32 @!p0 $0xF7A, s2;
	p2 =	seq.s32 @!p0 s5, $0x0  }
0x1f: {  	s9 =	smul.u32 $0xF7A, s1;
	s8 =	simm.s32 @!p0 $0x1BF5;
	p2 =	por !p2, p0  }
0x20: {  	[sflag:s8] =	ssyncset.s32 @!p0 $0xFFFFF086;
	s6 =	sadd.s32 @!p0 s3, s7;
	s7 =	simm.s32 @!p0 $0x108  }
0x21: {  	s3 =	sadd.s32 s3, s9;
	s6 =	sadd.s32 @!p0 $0x88, s6;
	s7 =	simm.s32 @p2 $0x1082  }
0x22: {  	[simem:s7], [sflag:s8] =	dma.local @!p0 [hbm:s6], $0xF7A  }
0x23: {  	s9 =	sor.u32 $0xD0000000, s2;
	s6 =	simm.s32 $0x108;
	_ =	swait.ge @!p0 [sflag:s8], $0x0  }
0x24: {  	s3 =	sadd.s32 $0x88, s3;
	s6 =	simm.s32 @!p1 $0x1082;
	[sflag:s4] =	ssyncset.s32 $0xFFFFF086  }
0x25: {  	[simem:s6], [sflag:s4] =	dma.local [hbm:s3], $0xF7A  }
0x26: {  	[smem:$0x3F97] =	sst s1;
	(tag) =	ssettag s2;
	_ =	strace s9  }
0x27: {  	s1 =	sld [smem:$0x3FA7]  }
0x28: {  	s2 =	sld [smem:$0x3FA8]  }
0x29: {  	s4 =	sld [smem:$0x3FAA]  }
0x2a: {  	p0 =	seq.s32 s5, $0x0;
	s5 =	sld [smem:$0x3FAB]  }
0x2b: {  	s6 =	sld [smem:$0x3FAC]  }
0x2c: {  	s7 =	sld [smem:$0x3FAD]  }
0x2d: {  	s3 =	simm.s32 $0x108;
	s8 =	sld [smem:$0x3FAE]  }
0x2e: {  	s3 =	simm.s32 @!p0 $0x1082;
	s9 =	sld [smem:$0x3FAF]  }
0x2f: {  	lr =	sadd.s32 s0, s3;
	s0 =	sld [smem:$0x3FA6]  }
0x30: {  	s3 =	sld [smem:$0x3FA9]  }
0x31: {  	[smem:$0x3FB2] =	sst s10  }
0x32: {  	s10 =	sld [smem:$0x3FB0];
	_ =	sdelay $0x3  }
0x33: {  	p0 =	seq.s32 s10, $0x1;
	s10 =	sld [smem:$0x3FB2];
	_ =	sdelay $0x3  }
0x34: {  	[smem:$0x3FB2] =	sst s10  }
0x35: {  	s10 =	sld [smem:$0x3FB1];
	_ =	sdelay $0x3  }
0x36: {  	p1 =	seq.s32 s10, $0x1;
	s10 =	sld [smem:$0x3FB2];
	_ =	sdelay $0x3  }
0x37: {  	[smem:$0x3FB2] =	sst s10  }
0x38: {  	s10 =	sld [smem:$0x3FB3]  }
0x39: {  	_ = 	snop;
	(pc) =	sbr.ind lr, $3  }
0x3a: {  	_ = 	snop  }
0x3b: {  	_ = 	snop  }
0x3c: {  	p2 =	seq.s32 s10, $0x1;
	s10 =	sld [smem:$0x3FB2]  }
0x3d: {  	_ =	shalt  }
0x3e: {  	_ =	shalt  }
0x3f: {  	_ =	shalt  }
0x40: {  	_ =	shalt  }
0x41: {  	_ =	shalt  }
0x42: {  	_ =	shalt  }
0x43: {  	_ =	shalt  }
0x44: {  	_ =	shalt  }
0x45: {  	_ =	shalt  }
0x46: {  	_ =	shalt  }
0x47: {  	_ =	shalt  }
0x48: {  	_ =	shalt  }
0x49: {  	_ =	shalt  }
0x4a: {  	_ =	shalt  }
0x4b: {  	_ =	shalt  }
0x4c: {  	_ =	shalt  }
0x4d: {  	_ =	shalt  }
0x4e: {  	_ =	shalt  }
0x4f: {  	_ =	shalt  }
0x50: {  	_ =	shalt  }
0x51: {  	_ =	shalt  }
0x52: {  	_ =	shalt  }
0x53: {  	_ =	shalt  }
0x54: {  	_ =	shalt  }
0x55: {  	_ =	shalt  }
0x56: {  	_ =	shalt  }
0x57: {  	_ =	shalt  }
0x58: {  	_ =	shalt  }
0x59: {  	_ =	shalt  }
0x5a: {  	_ =	shalt  }
0x5b: {  	_ =	shalt  }
0x5c: {  	_ =	shalt  }
0x5d: {  	_ =	shalt  }
0x5e: {  	_ =	shalt  }
0x5f: {  	_ =	shalt  }
0x60: {  	_ =	shalt  }
0x61: {  	_ =	shalt  }
0x62: {  	_ =	shalt  }
0x63: {  	_ =	shalt  }
0x64: {  	_ =	shalt  }
0x65: {  	_ =	shalt  }
0x66: {  	_ =	shalt  }
0x67: {  	_ =	shalt  }
0x68: {  	_ =	shalt  }
0x69: {  	_ =	shalt  }
0x6a: {  	_ =	shalt  }
0x6b: {  	_ =	shalt  }
0x6c: {  	_ =	shalt  }
0x6d: {  	_ =	shalt  }
0x6e: {  	_ =	shalt  }
0x6f: {  	_ =	shalt  }
0x70: {  	_ =	shalt  }
0x71: {  	_ =	shalt  }
0x72: {  	_ =	shalt  }
0x73: {  	_ =	shalt  }
0x74: {  	_ =	shalt  }
0x75: {  	_ =	shalt  }
0x76: {  	_ =	shalt  }
0x77: {  	_ =	shalt  }
0x78: {  	_ =	shalt  }
0x79: {  	_ =	shalt  }
0x7a: {  	_ =	shalt  }
0x7b: {  	_ =	shalt  }
0x7c: {  	_ =	shalt  }
0x7d: {  	_ =	shalt  }
0x7e: {  	_ =	shalt  }
0x7f: {  	_ =	shalt  }
0x80: {  	_ =	shalt  }
0x81: {  	_ =	shalt  }
0x82: {  	_ =	shalt  }
0x83: {  	_ =	shalt  }
0x84: {  	_ =	shalt  }
0x85: {  	_ =	shalt  }
0x86: {  	_ =	shalt  }
0x87: {  	_ =	shalt  }
.Lfunc_end0:
.L_simem_size_0:
called_computation_lowered:
.L_overlay_start_0:
0x88: {  	s2 =	sld [smem:$0x3FD9]  }
0x89: {  	s3 =	sld [smem:$0x3FFE];
	_ =	sdelay $0x1  }
0x8a: {  	s1 =	srdreg.scid  }
0x8b: {  	s0 =	sand.u32 $0x1, s1  }
0x8c: {  	s17 =	sshll.u32 s0, $0xA;
	s2 =	sadd.s32 s3, s2  }
0x8d: {  	s2 =	sadd.s32 s2, s17  }
0x8e: {  	[smem:$0x3FBE] =	sst s2  }
0x8f: {  	_ = 	snop  }
0x90: {  	s2 =	sld [smem:$0x3FC9];
	(tm) =	ssettm $0x1  }
0x91: {  	s18 =	sld [smem:$0x3FFB];
	_ =	sdelay $0x3  }
0x92: {  	_ =	strace s18  }
0x93: {  	s3 =	sld [smem:$0x3FFC];
	_ =	sdelay $0x3  }
0x94: {  	_ =	strace s3  }
0x95: {  	s3 =	sld [smem:$0x3FFD];
	_ =	sdelay $0x3  }
0x96: {  	_ =	strace s3  }
0x97: {  	_ =	strace $0x8FFFFFFF  }
0x98: {  	s19 =	sld [smem:$0x3FDB];
	_ =	sdelay $0x1  }
0x99: {  	s4 =	simm.s32 $_scs_section_size  }
0x9a: {  	s5 =	simm.s32 $_size__tile_overlayer_lowered;
	s6 =	simm.s32 $_tile_overlayer_lowered  }
0x9b: {  	s22 =	simm.s32 $0x1BFF;
	s21 =	sshll.u32 s6, $0x1;
	s3 =	sadd.s32 s4, s19  }
0x9c: {  	s7 =	simm.s32 $0x0;
	s20 =	sshll.u32 s5, $0x1;
	s5 =	sadd.s32 s21, s3  }
0x9d: {  	[timem:s7], [sflag:s22] =	dma.local [hbm:s5], s20  }
0x9e: {  	_ =	swait.ge [sflag:s22], s20  }
0x9f: {  	s4 =	ssub.s32 $0x0, s20;
	[sflag:s22] =	ssyncset.done $0x0  }
0xa0: {  	[sflag:s22] =	ssyncadd.s32 s4;
	_ =	sdelay $0x1  }
0xa1: {  	s23 =	simm.s32 $0x1B8B  }
0xa2: {  	_ =	swait.ge [sflag:s23], $0x1  }
0xa3: {  	[sflag:s23] =	ssyncset.done $0x0  }
0xa4: {  	s25 =	simm.s32 $0x1B8E;
	s24 =	sld [smem:$0x3FFE];
	[sflag:s23] =	ssyncadd.s32 $0xFFFFFFFF  }
0xa5: {  	s26 =	simm.s32 $execute0_lowered;
	[smem:$0x3FD2] =	sst s25  }
0xa6: {  	s5 =	sshll.u32 s26, $0x1;
	_ =	strace $0x80000046;
	[dreg:$0x1] =	wrdreg $0xFFFFFFFF  }
0xa7: {  	s28 =	simm.s32 $_size_execute0_lowered;
	s3 =	sadd.s32 s3, s5;
	[dreg:$0x0] =	wrdreg $0x0  }
0xa8: {  	s5 =	sshll.u32 s28, $0x1;
	[dreg:$0x2] =	wrdreg s3  }
0xa9: {  	[dreg:$0x3] =	wrdreg s5  }
0xaa: {  	[dreg:$0x4] =	wrdreg $0xC0  }
0xab: {  	_ =	task [dreg:s7], $0x5FFFF  }
0xac: {  	[dreg:$0x1] =	wrdreg $0xFFFFFFFF  }
0xad: {  	[dreg:$0x0] =	wrdreg $0x60  }
0xae: {  	[dreg:$0x2] =	wrdreg s2  }
0xaf: {  	[dreg:$0x3] =	wrdreg s24  }
0xb0: {  	[dreg:$0x4] =	wrdreg $0xFF000  }
0xb1: {  	[dreg:$0x5] =	wrdreg $0x13F000  }
0xb2: {  	[dreg:$0x6] =	wrdreg $0x9  }
0xb3: {  	_ =	task.clear_ibuf [dreg:s7], $0x7FFFF;
	_ =	strace $0x90000046  }
0xb4: {  	s29 =	simm.s32 $0x9;
	_ =	strace $0x80000048  }
0xb5: {  	_ =	swait.ge [sflag:s29], $0x1  }
0xb6: {  	[sflag:s29] =	ssyncadd.s32 $0xFFFFFFFF  }
0xb7: {  	_ =	strace $0x90000048  }
0xb8: {  	_ =	sfence  }
0xb9: {  	s30 =	sld [smem:$0x0];
	_ =	sdelay $0x2  }
0xba: {  	s31 =	sshll.u32 s1, $0xD;
	s1 =	sshrl.u32 s1, $0x2  }
0xbb: {  	s3 =	sand.u32 $0x4000, s31;
	s1 =	sadd.s32 s1, s30  }
0xbc: {  	s0 =	sor.u32 s3, s0;
	s1 =	sshll.u32 s1, $0x11  }
0xbd: {  	s0 =	sor.u32 s1, s0  }
0xbe: {  	s0 =	sadd.s32 $0x8F2B, s0  }
0xbf: {  	[sflag:s0] =	ssyncadd.remote.s32 $0x1  }
0xc0: {  	_ =	sfence.sel $0xFFFF  }
0xc1: {  	[dreg:$0x0] =	wrdreg $0xFFFFFFFF;
	(pc) =	sbr.abs _section_cstart, $3  }
0xc2: {  	[dreg:$0x1] =	wrdreg $0xFFFFFFFF  }
0xc3: {  	_ =	task.clear_ibuf [dreg:s7], $0x2FFFF;
	_ =	strace $0x9FFFFFFF  }
0xc4: {  	(tm) =	ssettm $0x7FFFFFFF  }
0xc5: {  	_ =	shalt  }
tec
execute0_lowered:
.L_overlay_start_1:
0x0: {  	(tag) =	ssettag $0x1  }
0x1: {  	s1 =	rddreg [dreg:$0x0]  }
0x2: {  	s0 =	rddreg [dreg:$0x1]  }
0x3: {  	s2 =	rddreg [dreg:$0x2]  }
0x4: {  	s3 =	rddreg [dreg:$0x3];
	s4 =	srdreg.scid;
	s5 =	simm.s32 $0x0  }
0x5: {  	s19 =	stileid.u32;
	s29 =	simm.s32 $0xF700;
	s30 =	simm.s32 $0x4F00  }
0x6: {  	s31 =	simm.s32 $0x7680;
	s4 =	sand.u32 $0x1, s4;
	[smem:$0x7FF] =	sst s5  }
0x7: {  	s7 =	sadd.s32 $0x1C00, s0;
	s8 =	sadd.s32 $0x15A00, s0;
	s13 =	sshll.u32 s19, $0x7  }
0x8: {  	s11 =	sadd.s32 $0x15C00, s0;
	s14 =	sshll.u32 s19, $0xB;
	s24 =	sshll.u32 s19, $0xE  }
0x9: {  	s6 =	sshll.u32 s4, $0x4;
	_ =	strace $0x80000047;
	[dreg:$0x5] =	wrdreg s8  }
0xa: {  	s9 =	sshll.u32 s4, $0xB;
	s10 =	sand.u32 $0x400, s13;
	[dreg:$0x6] =	wrdreg s11  }
0xb: {  	s28 =	sand.u32 $0x380, s13;
	s16 =	sadd.s32 s14, s0;
	s20 =	ssub.s32 $0x2, s4  }
0xc: {  	s14 =	sadd.s32 $0x16000, s0;
	s11 =	sadd.s32 s24, s2;
	s13 =	sadd.s32 s13, s3  }
0xd: {  	s24 =	simm.s32 $0xF600;
	s6 =	sor.u32 s19, s6;
	s9 =	sor.u32 s9, s10  }
0xe: {  	[dreg:$0x7] =	wrdreg s14;
	s21 =	sshrl.u32 s20, $0x1;
	s26 =	sshll.u32 s6, $0x4  }
0xf: {  	s9 =	sor.u32 s28, s9;
	s12 =	sshrl.u32 s6, $0x3;
	s18 =	smul.u32 $0x500, s6  }
0x10: {  	p0 =	sgt.u32 s6, $0x12;
	s8 =	sadd.s32 s26, s0;
	s9 =	sshrl.u32 s9, $0x3  }
0x11: {  	s15 =	smul.u32 $0x13C00, s12;
	s12 =	sadd.s32 $0x2800, s11;
	s26 =	sshll.u32 s4, $0xF  }
0x12: {  	s4 =	sor.u32 s19, s4;
	s19 =	simm.s32 $0x80;
	s17 =	sadd.s32 s9, s0  }
0x13: {  	s0 =	sadd.s32 s18, s0;
	s18 =	ssub.s32 s20, s21;
	s14 =	sadd.s32 $0x15800, s8  }
0x14: {  	v0 =	vlaneseq.u32;
	s20 =	simm.s32 $0x400;
	s21 =	simm.s32 $0x2;
	p1 =	sne.s32 s4, $0x0  }
0x15: {  	v1 =	vimm.s32 $0xFFFFFFFF;
	v2 =	vimm.f32 $0.0e+00;
	v3 =	vimm.f32 $1.000000000e+00;
	s8 =	simm.s32 $0x50;
	s4 =	simm.s32 $0x0;
	s10 =	sor.u32 s28, s15  }
0x16: {  	v5 =	vimm.s32 $0x0;
	v6 =	vimm.s32 $0x600;
	v4 =	vmul.u32 $0xFFFFFFFF, v0;
	s15 =	sadd.s32 $0x26200, s0;
	s28 =	sadd.s32 s26, s16;
	s17 =	sadd.s32 $0x15E00, s17  }
.Ltmp0:
0x17: {  	v7 =	vor.u32 $0x10, v0;
	v8 =	vmul.u32 $0x80, v0;
	v9 =	vor.u32 $0x20, v0;
	s18 =	smax.u32 s18, $0x1;
	s26 =	simm.s32 $0xC580;
	(pc) =	sbr.rel .LBB2_1-.Ltmp0, $4  }
0x18: {  	v10 =	vor.u32 $0x30, v0;
	v11 =	vor.u32 $0x40, v0;
	v4 =	vadd.s32 $0x5DC, v4;
	s0 =	simm.s32 $0x1;
	s22 =	sadd.s32 $0x4F000, s10;
	s10 =	sshrl.u32 s10, $0x3  }
0x19: {  	v12 =	vor.u32 $0x1, v8;
	v13 =	vor.u32 $0x800, v8;
	v14 =	vor.u32 $0x801, v8;
	s16 =	sadd.s32 $0x16200, s28;
	s23 =	sshrl.u32 s22, $0x3;
	s25 =	sadd.s32 s7, s10  }
0x1a: {  	v15 =	vor.u32 $0x1000, v8;
	v16 =	vor.u32 $0x1001, v8;
	v17 =	vor.u32 $0x1800, v8;
	s22 =	simm.s32 $0xF480;
	[dreg:$0x8] =	wrdreg s25;
	s7 =	sadd.s32 s7, s23  }
0x1b: {  	v18 =	vor.u32 $0x1801, v8;
	v19 =	vor.u32 $0x2000, v8;
	v20 =	vor.u32 $0x2001, v8;
	s25 =	simm.s32 $0x9E00;
	s23 =	simm.s32 $0xF500;
	[dreg:$0x9] =	wrdreg s7  }
.LBB2_17:
0x1c: {  	s6 =	stileid.u32  }
0x1d: {  	s6 =	sshll.u32 s6, $0x6  }
0x1e: {  	[bflag:$0x0] =	sbarrier.arrive $0xFFFF;
	s7 =	sshrl.u32 s11, $0x3;
	s6 =	sor.u32 $0x1C02, s6  }
0x1f: {  	[hbm:s16], [sflag:s6] =	dma.local [spmem:s7], $0x800  }
0x20: {  	s4 =	sadd.s32 $0x1, s4;
	_ =	swait.ge [sflag:s21], $0x800  }
0x21: {  	p2 =	sne.s32 s4, s18;
	[sflag:s21] =	ssyncset.done $0x0  }
.Ltmp1:
0x22: {  	s28 =	sshrl.u32 s13, $0x3;
	[sflag:s21] =	ssyncadd.s32 $0xFFFFF800;
	(pc) =	sbr.rel @!p2 .LBB2_18-.Ltmp1, $4  }
0x23: {  	[hbm:s17], [sflag:s6] =	dma.local [spmem:s28], $0x10  }
0x24: {  	_ =	swait.ge [sflag:s21], $0x10  }
0x25: {  	[sflag:s21] =	ssyncset.done $0x0  }
0x26: {  	[sflag:s21] =	ssyncadd.s32 $0xFFFFFFF0  }
.LBB2_1:
0x27: {  	s6 =	rddreg [dreg:$0x8]  }
0x28: {  	[tilespmem:s5], [sflag:$0x2] =	stream.strided.gather [hbm4b:s6+s19], $0x2780, s20, s19, $0x38;
	[tilespmem:$0x13F80] =	vst v63  }
0x29: {  	_ =	swait.ge [sflag:s21], $0x2780  }
0x2a: {  	[sflag:s21] =	ssyncset.done $0x0  }
0x2b: {  	s7 =	simm.s32 $0x2780;
	s28 =	rddreg [dreg:$0x9];
	[sflag:s21] =	ssyncadd.s32 $0xFFFFD880  }
0x2c: {  	[tilespmem:s7], [sflag:$0x2] =	stream.strided.gather [hbm4b:s28+s19], $0x2780, s20, s19, $0x38;
	[tilespmem:$0x13F80] =	vst v63  }
0x2d: {  	_ =	swait.ge [sflag:s21], $0x2780  }
0x2e: {  	[sflag:s21] =	ssyncset.done $0x0  }
0x2f: {  	s9 =	simm.s32 $0xED80;
	s7 =	rddreg [dreg:$0x5];
	[sflag:s21] =	ssyncadd.s32 $0xFFFFD880  }
0x30: {  	[tilespmem:s9], [sflag:$0x2] =	stream.linear.gather [hbm4b:s7+s5], $0x600, $0x38;
	[tilespmem:$0x13F80] =	vst v63  }
0x31: {  	_ =	swait.ge [sflag:s21], $0x600  }
0x32: {  	[sflag:s21] =	ssyncset.done $0x0  }
0x33: {  	s28 =	simm.s32 $0xF380;
	s10 =	rddreg [dreg:$0x6];
	[sflag:s21] =	ssyncadd.s32 $0xFFFFFA00  }
0x34: {  	[tilespmem:s28], [sflag:$0x2] =	stream.linear.gather [hbm4b:s10+s5], $0x100, $0x38;
	[tilespmem:$0x13F80] =	vst v63  }
0x35: {  	_ =	swait.ge [sflag:s21], $0x100  }
0x36: {  	[sflag:s21] =	ssyncset.done $0x0  }
0x37: {  	s6 =	simm.s32 $0x0;
	[sflag:s21] =	ssyncadd.s32 $0xFFFFFF00  }
.LBB2_2:
0x38: {  	p2 =	sne.s32 s6, $0x9C40  }
.Ltmp2:
0x39: {  	_ = 	snop;
	(pc) =	sbr.rel @p2 .LBB2_2-.Ltmp2, $3  }
0x3a: {  	_ =	sdelay $0x1  }
0x3b: {  	s7 =	sshra.s32 s6, $0x2  }
0x3c: {  	s6 =	sadd.s32 $0x40, s6;
	[tilespmem:s7+$0x9E00] =	vst v1  }
0x3d: {  	s6 =	simm.s32 $0x0  }
0x3e: {  	s7 =	sand.u32 $0xFE00, s6  }
0x3f: {  	s28 =	sand.u32 $0x70, s6;
	s9 =	sshrl.u32 s7, $0x2  }
0x40: {  	s7 =	simm.s32 $0x40;
	s28 =	sor.u32 s28, s9  }
.LBB2_4:
0x41: {  	p2 =	sne.s32 s7, $0x9FC0  }
0x42: {  	[tilespmem:s28+$0xC580] =	vst v2;
	s6 =	sadd.s32 $0x10, s6;
	s9 =	smov.u32 s7;
	s7 =	sadd.s32 $0x40, s7  }
.Ltmp3:
0x43: {  	(pc) =	sbr.rel @p2 .LBB2_4-.Ltmp3, $4  }
0x44: {  	_ = 	snop  }
0x45: {  	s9 =	sand.u32 $0xFE00, s9  }
0x46: {  	s28 =	sand.u32 $0x70, s6;
	s9 =	sshrl.u32 s9, $0x2  }
0x47: {  	s28 =	sor.u32 s28, s9  }
0x48: {  	[tilespmem:s28+$0xC580] =	vst v2  }
0x49: {  	[tilespmem:$0xF680] =	vst v2  }
0x4a: {  	[tilespmem:$0xF690] =	vst v2  }
0x4b: {  	[tilespmem:$0xF6A0] =	vst v2  }
0x4c: {  	[tilespmem:$0xF6B0] =	vst v2  }
0x4d: {  	[tilespmem:$0xF6C0] =	vst v2  }
0x4e: {  	[tilespmem:$0xF6D0] =	vst v2  }
0x4f: {  	[tilespmem:$0xF6E0] =	vst v2  }
0x50: {  	[tilespmem:$0xF6F0] =	vst v2  }
0x51: {  	[tilespmem:$0xF600] =	vst v3  }
0x52: {  	[tilespmem:$0xF610] =	vst v3  }
0x53: {  	[tilespmem:$0xF620] =	vst v3  }
0x54: {  	[tilespmem:$0xF630] =	vst v3  }
0x55: {  	s6 =	simm.s32 $0xED80;
	[tilespmem:$0xF640] =	vst v3  }
0x56: {  	s7 =	simm.s32 $0x0;
	s28 =	simm.s32 $0x10;
	v21 =	vld [tilespmem:s6+$0x0]  }
.LBB2_6:
0x57: {  	p2 =	sne.s32 s28, $0x5D0;
	v22 =	vor.u32 s7, v0;
	s7 =	smov.u32 s28  }
0x58: {  	vm0 =	vlt.u32 v22, $0x5DC;
	_ =	sdelay $0x2  }
.Ltmp4:
0x59: {  	(pc) =	sbr.rel @p2 .LBB2_6-.Ltmp4, $3  }
0x5a: {  	_ =	sdelay $0x1  }
0x5b: {  	s6 =	sadd.s32 $0x10, s6;
	[tilespmem:v21+s25+$0x0] =	vst.idx.msk vm0, v22  }
0x5c: {  	s28 =	sadd.s32 $0x10, s28;
	v21 =	vld [tilespmem:s6+$0x0]  }
0x5d: {  	_ = 	snop  }
0x5e: {  	v22 =	vor.u32 s7, v0  }
0x5f: {  	vm0 =	vlt.u32 v22, $0x5DC;
	_ =	sdelay $0x5  }
0x60: {  	[tilespmem:v21+s25+$0x0] =	vst.idx.msk vm0, v22  }
0x61: {  	[spmem:s11] =	stream.linear.scatter [tilespmem:s26], [sflag:$0x2], $0x2800, $0x38;
	[tilespmem:$0x13F80] =	vst v63  }
0x62: {  	_ =	swait.ge [sflag:s21], $0x2800  }
0x63: {  	[sflag:s21] =	ssyncset.done $0x0  }
0x64: {  	[sflag:s21] =	ssyncadd.s32 $0xFFFFD800  }
0x65: {  	[spmem:s12] =	stream.linear.scatter [tilespmem:s26], [sflag:$0x2], $0x1800, $0x38;
	[tilespmem:$0x13F80] =	vst v63  }
0x66: {  	_ =	swait.ge [sflag:s21], $0x1800  }
0x67: {  	[sflag:s21] =	ssyncset.done $0x0  }
0x68: {  	s6 =	simm.s32 $0xF680;
	[sflag:s21] =	ssyncadd.s32 $0xFFFFE800  }
0x69: {  	[spmem:s13] =	stream.linear.scatter [tilespmem:s6], [sflag:$0x2], $0x80, $0x38;
	[tilespmem:$0x13F80] =	vst v63  }
0x6a: {  	_ =	swait.ge [sflag:s21], $0x80  }
0x6b: {  	[sflag:s21] =	ssyncset.done $0x0  }
0x6c: {  	[sflag:s21] =	ssyncadd.s32 $0xFFFFFF80  }
0x6d: {  	[bflag:$0x0] =	sbarrier.arrive $0xFFFF  }
0x6e: {  	s7 =	simm.s32 @!p0 $0xF580;
	s9 =	simm.s32 @!p0 $0x2;
	s6 =	simm.s32 @!p0 $0x0;
	v21 =	vld [tilespmem:$0xF380]  }
0x6f: {  	v22 =	vld [tilespmem:$0xF400];
	[tilespmem:s7], [sflag:$0x2] =	stream.linear.gather @!p0 [hbm4b:s14+s6], $0x80, $0x38  }
0x70: {  	_ =	swait.ge @!p0 [sflag:s9], $0x80  }
0x71: {  	[sflag:s9] =	ssyncset.done @!p0 $0x0  }
0x72: {  	s28 =	simm.s32 @!p0 $0x50;
	s10 =	simm.s32 @!p0 $0xC580;
	[sflag:s9] =	ssyncadd.s32 @!p0 $0xFFFFFF80  }
0x73: {  	[tilespmem:s10], [sflag:$0x1] =	stream.indirect.gather @!p0 [hbm4b:s1+s28], $0x80, s7, s28, $0xb8;
	[tilespmem:$0x13F80] =	vst v63  }
0x74: {  	s7 =	simm.s32 @!p0 $0x1  }
0x75: {  	_ =	swait.ge @!p0 [sflag:s7], $0x2800  }
0x76: {  	[sflag:s7] =	ssyncset.done @!p0 $0x0  }
.Ltmp5:
0x77: {  	[sflag:s7] =	ssyncadd.s32 @!p0 $0xFFFFD800;
	(pc) =	sbr.rel @p1 .LBB2_12-.Ltmp5, $4  }
0x78: {  	[hbm4b:s15+s6] =	stream.linear.scatter @!p0 [tilespmem:s10], [sflag:$0x2], $0x2800, $0x38;
	[tilespmem:$0x13F80] =	vst v63  }
0x79: {  	_ =	swait.ge @!p0 [sflag:s9], $0x2800  }
0x7a: {  	[sflag:s9] =	ssyncset.done @!p0 $0x0  }
0x7b: {  	s7 =	simm.s32 $0x0;
	s6 =	simm.s32 $0x0;
	[sflag:s9] =	ssyncadd.s32 @!p0 $0xFFFFD800  }
.LBB2_8:
0x7c: {  	p2 =	sne.s32 s7, $0x1FC0  }
.Ltmp6:
0x7d: {  	_ = 	snop;
	(pc) =	sbr.rel @p2 .LBB2_8-.Ltmp6, $3  }
0x7e: {  	_ =	sdelay $0x1  }
0x7f: {  	s9 =	sshra.s32 s7, $0x2  }
0x80: {  	s7 =	sadd.s32 $0x40, s7;
	[tilespmem:s9+$0xF700] =	vst v2  }
0x81: {  	s7 =	simm.s32 $0xED80  }
.LBB2_10:
0x82: {  	v23 =	vld [tilespmem:s7+$0x0];
	_ =	sdelay $0x7  }
0x83: {  	v23 =	vld.idx.msk [tilespmem:v23+s25+$0x0], $0xffff;
	_ =	sdelay $0x3  }
0x84: {  	v24 =	vmov s6  }
0x85: {  	vm1 =	vlt.u32 v24, v4;
	vm0 =	vlt.s32 v23, $0x0  }
0x86: {  	p2 =	sne.s32 s6, $0x5D0;
	v23 =	vsel vm0, $0x600, v23  }
.Ltmp7:
0x87: {  	_ = 	snop;
	(pc) =	sbr.rel @p2 .LBB2_10-.Ltmp7, $2  }
0x88: {  	_ =	sdelay $0x2  }
0x89: {  	s7 =	sadd.s32 $0x10, s7;
	s6 =	sadd.s32 $0x10, s6;
	[tilespmem:v23+s29+$0x0] =	vst.idx.add.f32.msk vm1, v3  }
0x8a: {  	s6 =	rddreg [dreg:$0x7]  }
0x8b: {  	[hbm4b:s6+s5] =	stream.linear.scatter [tilespmem:s29], [sflag:$0x2], $0x800, $0x38;
	[tilespmem:$0x13F80] =	vst v63  }
0x8c: {  	_ =	swait.ge [sflag:s21], $0x800  }
0x8d: {  	[sflag:s21] =	ssyncset.done $0x0  }
0x8e: {  	[sflag:s21] =	ssyncadd.s32 $0xFFFFF800  }
.LBB2_12:
0x8f: {  	v23 =	vimm.s32 $0x0;
	s6 =	simm.s32 $0x0  }
.LBB2_13:
0x90: {  	s7 =	sshra.s32 s6, $0x2  }
0x91: {  	v24 =	vld [tilespmem:s7+$0x2780];
	_ =	sdelay $0x7  }
0x92: {  	v24 =	vld.idx.msk [tilespmem:v24+s25+$0x0], $0xffff;
	_ =	sdelay $0x4  }
0x93: {  	vm0 =	vgt.s32 v24, $0xFFFFFFFF  }
0x94: {  	v25 =	vsel vm0, $0x1, v5  }
0x95: {  	(xrf0) =	vadd.scan.msk.s32 $0xffff, v25;
	_ =	sdelay $0x5  }
0x96: {  	v25, _, _ =	vpop (xrf0)  }
0x97: {  	v25 =	vadd.s32 v25, v23  }
0x98: {  	v26 =	vld [tilespmem:s7+$0x0];
	v25 =	vadd.s32 $0xFFFFFFFF, v25  }
0x99: {  	p2 =	sne.s32 s6, $0x9C00  }
.Ltmp8:
0x9a: {  	_ = 	snop;
	(pc) =	sbr.rel @p2 .LBB2_13-.Ltmp8, $4  }
0x9b: {  	_ = 	snop  }
0x9c: {  	v27 =	vmpcnt.ones.xlane vm0  }
0x9d: {  	[tilespmem:v25+s30+$0x0] =	vst.idx.msk vm0, v26  }
0x9e: {  	s6 =	sadd.s32 $0x40, s6;
	v23 =	vadd.s32 v23, v27;
	[tilespmem:v25+s31+$0x0] =	vst.idx.msk vm0, v24  }
0x9f: {  	v23 =	vxor.u32 $0x80000000, v23  }
0xa0: {  	(xrf0) =	vmax.scan.msk.u32 $0xffff, v23;
	_ =	sdelay $0x5  }
0xa1: {  	v23, _, _ =	vpop (xrf0)  }
0xa2: {  	(v2sf) =	vpush v23, $0xF;
	_ =	sdelay $0xe  }
0xa3: {  	s6 =	spop (v2sf)  }
0xa4: {  	s9 =	sadd.s32 $0x8000004F, s6  }
0xa5: {  	s10 =	smulhi.u32 $0x66666667, s9;
	s28 =	sshra.s32 s9, $0x1F  }
0xa6: {  	s28 =	smul.u32 $0x66666667, s28;
	_ =	sdelay $0x1  }
0xa7: {  	s7 =	sxor.u32 $0x80000000, s6;
	s10 =	sadd.s32 s28, s10  }
0xa8: {  	v23 =	vadd.s32 s7, v0;
	s28 =	sshrl.u32 s10, $0x1F;
	s10 =	sshra.s32 s10, $0x5  }
0xa9: {  	s10 =	sadd.s32 s28, s10  }
0xaa: {  	v24 =	vadd.s32 s7, v7;
	s28 =	smul.u32 $0xFFFFFFB0, s10  }
0xab: {  	s6 =	ssub.s32 $0x7FFFFFB1, s6  }
0xac: {  	v25 =	vadd.s32 s7, v9;
	p2 =	slt.s32 s9, $0x1;
	p3 =	sne.s32 s28, s6  }
0xad: {  	[tilespmem:v23+s30+$0x0] =	vst.idx.msk $0xffff, v5;
	p2 =	por !p2, !p3  }
0xae: {  	[tilespmem:v23+s31+$0x0] =	vst.idx.msk $0xffff, v6;
	v23 =	vadd.s32 s7, v10;
	s6 =	simm.s32 $0x1;
	p2 =	por !p2, !p2  }
0xaf: {  	[tilespmem:v24+s30+$0x0] =	vst.idx.msk $0xffff, v5;
	s6 =	simm.s32 @!p2 $0x0  }
0xb0: {  	v26 =	vadd.s32 s7, v11;
	[tilespmem:v24+s31+$0x0] =	vst.idx.msk $0xffff, v6;
	s28 =	ssub.s32 s10, s6  }
0xb1: {  	[tilespmem:v25+s30+$0x0] =	vst.idx.msk $0xffff, v5;
	p2 =	slt.s32 s28, $0x1  }
.Ltmp9:
0xb2: {  	[tilespmem:v25+s31+$0x0] =	vst.idx.msk $0xffff, v6;
	(pc) =	sbr.rel @p2 .LBB2_17-.Ltmp9, $4  }
0xb3: {  	[tilespmem:v23+s30+$0x0] =	vst.idx.msk $0xffff, v5  }
0xb4: {  	[tilespmem:v23+s31+$0x0] =	vst.idx.msk $0xffff, v6  }
0xb5: {  	[tilespmem:v26+s30+$0x0] =	vst.idx.msk $0xffff, v5  }
0xb6: {  	[tilespmem:v26+s31+$0x0] =	vst.idx.msk $0xffff, v6  }
0xb7: {  	s6 =	simm.s32 $0x4F20;
	s7 =	simm.s32 $0x76A0  }
.LBB2_16:
0xb8: {  	v23 =	vld [tilespmem:s6+$0xFFFFFFE0]  }
0xb9: {  	v24 =	vld [tilespmem:s7+$0xFFFFFFE0];
	_ =	sdelay $0x3  }
0xba: {  	[tilespmem:$0xF480] =	vst v23  }
0xbb: {  	[tilespmem:$0xF500] =	vst v24  }
0xbc: {  	v24 =	vld [tilespmem:s6+$0xFFFFFFF0]  }
0xbd: {  	v25 =	vld [tilespmem:s7+$0xFFFFFFF0];
	_ =	sdelay $0x3  }
0xbe: {  	[tilespmem:$0xF490] =	vst v24  }
0xbf: {  	[tilespmem:$0xF510] =	vst v25  }
0xc0: {  	v25 =	vld [tilespmem:s6+$0x0]  }
0xc1: {  	v26 =	vld [tilespmem:s7+$0x0];
	_ =	sdelay $0x3  }
0xc2: {  	[tilespmem:$0xF4A0] =	vst v25  }
0xc3: {  	[tilespmem:$0xF520] =	vst v26  }
0xc4: {  	v26 =	vld [tilespmem:s6+$0x10]  }
0xc5: {  	v27 =	vld [tilespmem:s7+$0x10];
	_ =	sdelay $0x3  }
0xc6: {  	[tilespmem:$0xF4B0] =	vst v26  }
0xc7: {  	[tilespmem:$0xF530] =	vst v27  }
0xc8: {  	v27 =	vld [tilespmem:s6+$0x20]  }
0xc9: {  	v28 =	vld [tilespmem:s7+$0x20];
	_ =	sdelay $0x3  }
0xca: {  	[tilespmem:$0xF4C0] =	vst v27  }
0xcb: {  	[tilespmem:$0xF540] =	vst v28  }
0xcc: {  	[tilespmem:s26], [sflag:$0x1] =	stream.indirect.gather [hbm4b:s1+s8], $0x80, s22, s8, $0xb8;
	[tilespmem:$0x13F80] =	vst v63  }
0xcd: {  	_ =	swait.ge [sflag:s0], $0x2800  }
0xce: {  	[sflag:s0] =	ssyncset.done $0x0  }
0xcf: {  	[sflag:s0] =	ssyncadd.s32 $0xFFFFD800  }
0xd0: {  	v23 =	vld.idx.msk [tilespmem:v23+s25+$0x0], $0xffff;
	_ =	sdelay $0x4  }
0xd1: {  	vm0 =	vgt.s32 v23, $0xFFFFFFFF;
	_ =	sdelay $0x5  }
0xd2: {  	[tilespmem:v8+s26+$0x0] =	vst.idx.msk vm0, v21  }
0xd3: {  	[tilespmem:v12+s26+$0x0] =	vst.idx.msk vm0, v22  }
0xd4: {  	v23 =	vld.idx.msk [tilespmem:v24+s25+$0x0], $0xffff;
	_ =	sdelay $0x4  }
0xd5: {  	vm12 =	vgt.s32 v23, $0xFFFFFFFF;
	_ =	sdelay $0x5  }
0xd6: {  	[tilespmem:v13+s26+$0x0] =	vst.idx.msk vm12, v21  }
0xd7: {  	[tilespmem:v14+s26+$0x0] =	vst.idx.msk vm12, v22  }
0xd8: {  	v23 =	vld.idx.msk [tilespmem:v25+s25+$0x0], $0xffff;
	_ =	sdelay $0x4  }
0xd9: {  	vm13 =	vgt.s32 v23, $0xFFFFFFFF;
	_ =	sdelay $0x5  }
0xda: {  	[tilespmem:v15+s26+$0x0] =	vst.idx.msk vm13, v21  }
0xdb: {  	[tilespmem:v16+s26+$0x0] =	vst.idx.msk vm13, v22  }
0xdc: {  	v23 =	vld.idx.msk [tilespmem:v26+s25+$0x0], $0xffff;
	_ =	sdelay $0x4  }
0xdd: {  	vm14 =	vgt.s32 v23, $0xFFFFFFFF;
	_ =	sdelay $0x5  }
0xde: {  	[tilespmem:v17+s26+$0x0] =	vst.idx.msk vm14, v21  }
0xdf: {  	[tilespmem:v18+s26+$0x0] =	vst.idx.msk vm14, v22  }
0xe0: {  	v23 =	vld.idx.msk [tilespmem:v27+s25+$0x0], $0xffff;
	_ =	sdelay $0x4  }
0xe1: {  	vm15 =	vgt.s32 v23, $0xFFFFFFFF;
	_ =	sdelay $0x5  }
0xe2: {  	[tilespmem:v19+s26+$0x0] =	vst.idx.msk vm15, v21  }
0xe3: {  	[tilespmem:v20+s26+$0x0] =	vst.idx.msk vm15, v22  }
0xe4: {  	[spmem:s2] =	stream.indirect.scatter.add.f32 [tilespmem:s26], [sflag:$0x2], $0x80, s23, s8, $0xb8;
	[tilespmem:$0x13F80] =	vst v63  }
0xe5: {  	_ =	swait.ge [sflag:s21], $0x2800  }
0xe6: {  	p2 =	sne.s32 s28, $0x1;
	[sflag:s21] =	ssyncset.done $0x0  }
.Ltmp10:
0xe7: {  	[sflag:s21] =	ssyncadd.s32 $0xFFFFD800;
	(pc) =	sbr.rel @p2 .LBB2_16-.Ltmp10, $4  }
0xe8: {  	[spmem:s3] =	stream.indirect.scatter.add.f32 [tilespmem:s24], [sflag:$0x2], $0x1, s23, s8, $0xb8;
	[tilespmem:$0x13F80] =	vst v63  }
0xe9: {  	_ =	swait.ge [sflag:s21], $0x50  }
0xea: {  	s28 =	sadd.s32 $0xFFFFFFFF, s28;
	[sflag:s21] =	ssyncset.done $0x0  }
0xeb: {  	s6 =	sadd.s32 $0x50, s6;
	s7 =	sadd.s32 $0x50, s7;
	[sflag:s21] =	ssyncadd.s32 $0xFFFFFFB0  }
.Ltmp11:
0xec: {  	_ = 	snop;
	(pc) =	sbr.rel .LBB2_17-.Ltmp11, $1  }
0xed: {  	_ =	sdelay $0x3  }
.LBB2_18:
0xee: {  	_ =	sfence.sel $0x180000  }
0xef: {  	[bflag:$0x0] =	sbarrier.arrive $0xFFFF  }
0xf0: {  	_ =	strace $0x90000047  }
0xf1: {  	s0 =	stileid.u32;
	[bflag:$0x2] =	sbarrier.arrive $0xFFFF  }
0xf2: {  	p0 =	sne.s32 s0, $0x0;
	s0 =	rddreg [dreg:$0x4]  }
0xf3: {  	s0 =	sadd.s32 @!p0 $0x100000, s0  }
0xf4: {  	[sflag:s0] =	ssyncadd.tile.s32 @!p0 $0x1;
	_ =	shalt  }
.Lfunc_end2:
_tile_overlayer_lowered:
.L_overlay_start_2:
0xf5: {  	(tag) =	ssettag $0x2  }
0xf6: {  	s0 =	rddreg [dreg:$0x0];
	s2 =	stileid.u32  }
0xf7: {  	s1 =	rddreg [dreg:$0x1];
	p0 =	sne.s32 s2, $0x0  }
0xf8: {  	s3 =	rddreg [dreg:$0x2];
	[bflag:$0x3] =	sbarrier.arrive $0xFFFF;
	s2 =	simm.s32 @!p0 $0x1C02  }
0xf9: {  	[timem:s3], [sflag:s2] =	dma.local @!p0 [hbm:s0], s1  }
0xfa: {  	s0 =	simm.s32 @!p0 $0x2  }
0xfb: {  	_ =	swait.ge @!p0 [sflag:s0], s1  }
0xfc: {  	s1 =	ssub.s32 @!p0 $0x0, s1;
	[sflag:s0] =	ssyncset.done @!p0 $0x0  }
0xfd: {  	[sflag:s0] =	ssyncadd.s32 @!p0 s1  }
0xfe: {  	[bflag:$0x3] =	sbarrier.arrive $0xFFFF  }
0xff: {  	_ =	shalt  }

</sc_bundles>
